<compile_context>
chip_gen: v7x
topology: tpu7x:2x2x1
jax: 0.10.2.dev20260603
libtpu: 0.0.44.dev20260713+nightly
codegen_flags: <defaults>
</compile_context>

<pallas_src>
import functools
import math

import jax
import jax.numpy as jnp
from jax import lax
from jax.experimental import pallas as pl
from jax.experimental.pallas import tpu as pltpu
from jax.experimental.pallas import tpu_sc as plsc

D_MODEL = 64
D_PAD = 128
SCALE = math.sqrt(D_MODEL)
NUM_CORES = 2
NUM_SUBCORES = 16
NUM_WORKERS = NUM_CORES * NUM_SUBCORES
CHUNK = 64
NBUF = 5


@functools.lru_cache(maxsize=None)
def _build_gather(B: int, C: int):
    b_per_w = B // NUM_WORKERS
    nchunk = b_per_w // C
    nouter = nchunk // NBUF
    mesh = plsc.VectorSubcoreMesh(
        core_axis_name="c", subcore_axis_name="s",
        num_cores=NUM_CORES, num_subcores=NUM_SUBCORES)

    @functools.partial(
        pl.kernel,
        out_type=jax.ShapeDtypeStruct((B, D_MODEL), jnp.float32),
        mesh=mesh,
        scratch_types=(
            [pltpu.VMEM((b_per_w,), jnp.int32)]
            + [pltpu.VMEM((C, D_PAD), jnp.float32) for _ in range(NBUF)]
            + [pltpu.VMEM((C, D_MODEL), jnp.float32) for _ in range(NBUF)]
            + [pltpu.SemaphoreType.DMA for _ in range(2 * NBUF)]
        ),
        compiler_params=pltpu.CompilerParams(
            use_tc_tiling_on_sc=True, skip_device_barrier=True),
    )
    def gather_kernel(idx_hbm, table_hbm, out_hbm, idx_all, *bufs):
        in_bufs = bufs[:NBUF]
        out_bufs = bufs[NBUF:2 * NBUF]
        sem_g = bufs[2 * NBUF:3 * NBUF]
        sem_s = bufs[3 * NBUF:4 * NBUF]
        wid = lax.axis_index("s") * NUM_CORES + lax.axis_index("c")
        base = wid * b_per_w

        pltpu.sync_copy(idx_hbm.at[pl.ds(base, b_per_w)], idx_all)

        def gather_for(g, b):
            return pltpu.make_async_copy(
                table_hbm.at[idx_all.at[pl.ds(g * C, C)]], in_bufs[b], sem_g[b])

        def store_for(g, b):
            return pltpu.make_async_copy(
                out_bufs[b], out_hbm.at[pl.ds(base + g * C, C)], sem_s[b])

        for b in range(NBUF - 1):
            gather_for(b, b).start()

        def outer_body(o, carry):
            for b in range(NBUF):
                g = o * NBUF + b
                if b == 0:
                    gather_for(g + NBUF - 1, (b - 1) % NBUF).start()
                    pl.when(o > 0)(
                        lambda: store_for(g - 1, (b - 1) % NBUF).start())
                else:
                    pl.when(o < nouter - 1)(
                        lambda: gather_for(g + NBUF - 1, b - 1).start())
                    store_for(g - 1, b - 1).start()
                gather_for(g, b).wait()
                pl.when(o > 0)(lambda: store_for(g - NBUF, b).wait())

                @plsc.parallel_loop(0, C, step=1, unroll=8)
                def scale_row(r):
                    for dd in range(D_MODEL // 16):
                        sl = pl.ds(dd * 16, 16)
                        out_bufs[b][r, sl] = in_bufs[b][r, sl] * SCALE
            return carry

        lax.fori_loop(0, nouter, outer_body, 0)
        store_for(nchunk - 1, (NBUF - 1) % NBUF).start()
        for b in range(NBUF):
            store_for(nchunk - NBUF + b, b).wait()

    return gather_kernel


@jax.jit
def kernel(x, table):
    B = x.size
    idx = x.reshape((B,)).astype(jnp.int32)
    sel = jnp.eye(D_MODEL, D_PAD, dtype=jnp.float32)
    table_pad = jax.lax.dot_general(
        table, sel, (((1,), (0,)), ((), ())),
        precision=jax.lax.Precision.HIGH)
    out = _build_gather(B, CHUNK)(idx, table_pad)
    return out.reshape(x.shape + (D_MODEL,))

# --- scband reference (transcript-rebuilt; emitter-appended) ---
"""Pipeline reference for scband-embeddings-16243566314066 (READ-ONLY COPY).

The authoritative reference and input builder live on the scoring server;
editing this copy changes nothing except your own understanding.
"""

import math
import jax, jax.numpy as jnp
import numpy as np

D_MODEL = 64
VOCAB = 1000000

def setup_inputs(seed: int = 0) -> dict:
    key = jax.random.key(seed)
    k_idx, k_tab = jax.random.split(key)
    x = jax.random.randint(k_idx, (4096, 200), 0, VOCAB, dtype=jnp.int64) if jax.config.jax_enable_x64 else jax.random.randint(k_idx, (4096, 200), 0, VOCAB, dtype=jnp.int32)
    table = jax.random.normal(k_tab, (VOCAB, D_MODEL), dtype=jnp.float32)
    return {"x": x, "table": table}

def reference(x, table):
    # Embeddings.forward: embedding(x) * sqrt(d_model)
    emb = jnp.take(table, x, axis=0)
    return emb * math.sqrt(D_MODEL)

if __name__ == "__main__":
    import jax
    _d = setup_inputs()
    print(jax.jit(kernel)(*tuple(_d.values())))

</pallas_src>

<mosaic_0001>
#map = affine_map<(d0, d1) -> (0)>
#map1 = affine_map<(d0, d1) -> (0, 0)>
module attributes {stable_mosaic.version = 14 : i64} {
  func.func @gather_kernel(%arg0: i32, %arg1: i32, %arg2: memref<819200xi32, #tpu.memory_space<hbm>>, %arg3: memref<1000000x128xf32, #tpu.memory_space<hbm>>, %arg4: memref<819200x64xf32, #tpu.memory_space<hbm>>, %arg5: memref<25600xi32, #tpu.memory_space<vmem>>, %arg6: memref<64x128xf32, #tpu.memory_space<vmem>>, %arg7: memref<64x128xf32, #tpu.memory_space<vmem>>, %arg8: memref<64x128xf32, #tpu.memory_space<vmem>>, %arg9: memref<64x128xf32, #tpu.memory_space<vmem>>, %arg10: memref<64x128xf32, #tpu.memory_space<vmem>>, %arg11: memref<64x64xf32, #tpu.memory_space<vmem>>, %arg12: memref<64x64xf32, #tpu.memory_space<vmem>>, %arg13: memref<64x64xf32, #tpu.memory_space<vmem>>, %arg14: memref<64x64xf32, #tpu.memory_space<vmem>>, %arg15: memref<64x64xf32, #tpu.memory_space<vmem>>, %arg16: memref<!tpu.dma_semaphore, #tpu.memory_space<semaphore_mem>>, %arg17: memref<!tpu.dma_semaphore, #tpu.memory_space<semaphore_mem>>, %arg18: memref<!tpu.dma_semaphore, #tpu.memory_space<semaphore_mem>>, %arg19: memref<!tpu.dma_semaphore, #tpu.memory_space<semaphore_mem>>, %arg20: memref<!tpu.dma_semaphore, #tpu.memory_space<semaphore_mem>>, %arg21: memref<!tpu.dma_semaphore, #tpu.memory_space<semaphore_mem>>, %arg22: memref<!tpu.dma_semaphore, #tpu.memory_space<semaphore_mem>>, %arg23: memref<!tpu.dma_semaphore, #tpu.memory_space<semaphore_mem>>, %arg24: memref<!tpu.dma_semaphore, #tpu.memory_space<semaphore_mem>>, %arg25: memref<!tpu.dma_semaphore, #tpu.memory_space<semaphore_mem>>) attributes {dimension_semantics = [#tpu.dimension_semantics<core_parallel>, #tpu.dimension_semantics<subcore_parallel>], iteration_bounds = array<i64: 2, 16>, scalar_prefetch = 0 : i64, scratch_operands = 21 : i64, tpu.core_type = #tpu.core_type<sc_vector_subcore>, window_params = [{transform_indices = #map}, {transform_indices = #map1}, {transform_indices = #map1}]} {
    %mul3A = arith.constant 2 : i32
    %mul3A_0 = arith.muli %arg1, %mul3A : i32
    %add3A = arith.addi %mul3A_0, %arg0 : i32
    %mul3A_1 = arith.constant 25600 : i32
    %mul3A_2 = arith.muli %add3A, %mul3A_1 : i32
    "tpu.region"() ({
      %run_scoped3A = tpu.sem_alloc : memref<!tpu.dma_semaphore, #tpu.memory_space<semaphore_mem>>
      %dma_start3A_62 = tpu.memref_slice %arg2[%mul3A_2] : memref<819200xi32, #tpu.memory_space<hbm>> -> memref<25600xi32, #tpu.memory_space<hbm>>
      %dma_start3A_63 = tpu.memref_slice %arg2[%mul3A_2] : memref<819200xi32, #tpu.memory_space<hbm>> -> memref<25600xi32, #tpu.memory_space<hbm>>
      tpu.enqueue_dma source(%dma_start3A_63 : memref<25600xi32, #tpu.memory_space<hbm>>) target(%arg5 : memref<25600xi32, #tpu.memory_space<vmem>>) target_semaphore(%run_scoped3A : memref<!tpu.dma_semaphore, #tpu.memory_space<semaphore_mem>>)
      %dma_wait3A_64 = tpu.memref_slice %arg2[%mul3A_2] : memref<819200xi32, #tpu.memory_space<hbm>> -> memref<25600xi32, #tpu.memory_space<hbm>>
      %dma_wait3A_65 = tpu.memref_slice %arg2[%mul3A_2] : memref<819200xi32, #tpu.memory_space<hbm>> -> memref<25600xi32, #tpu.memory_space<hbm>>
      tpu.wait_dma2 semaphore(%run_scoped3A : memref<!tpu.dma_semaphore, #tpu.memory_space<semaphore_mem>>) src(%dma_wait3A_65 : memref<25600xi32, #tpu.memory_space<hbm>>) dst(%arg5 : memref<25600xi32, #tpu.memory_space<vmem>>)
      tpu.yield
    }) : () -> ()
    %dma_start3A = arith.constant 0 : i32
    %dma_start3A_3 = tpu.memref_slice %arg5[%dma_start3A] : memref<25600xi32, #tpu.memory_space<vmem>> -> memref<64xi32, #tpu.memory_space<vmem>>
    %dma_start3A_4 = arith.constant 0 : i32
    %dma_start3A_5 = arith.constant 0 : i32
    %dma_start3A_6 = tpu.memref_slice %arg3[%dma_start3A_4, %dma_start3A_5] : memref<1000000x128xf32, #tpu.memory_space<hbm>> -> memref<1000000x128xf32, #tpu.memory_space<hbm>>
    tpu.enqueue_indirect_dma source(%dma_start3A_6 : memref<1000000x128xf32, #tpu.memory_space<hbm>>) target(%arg6 : memref<64x128xf32, #tpu.memory_space<vmem>>) offsets(%dma_start3A_3 : memref<64xi32, #tpu.memory_space<vmem>>) semaphore(%arg16 : memref<!tpu.dma_semaphore, #tpu.memory_space<semaphore_mem>>)
    %dma_start3A_7 = arith.constant 64 : i32
    %dma_start3A_8 = tpu.memref_slice %arg5[%dma_start3A_7] : memref<25600xi32, #tpu.memory_space<vmem>> -> memref<64xi32, #tpu.memory_space<vmem>>
    %dma_start3A_9 = arith.constant 0 : i32
    %dma_start3A_10 = arith.constant 0 : i32
    %dma_start3A_11 = tpu.memref_slice %arg3[%dma_start3A_9, %dma_start3A_10] : memref<1000000x128xf32, #tpu.memory_space<hbm>> -> memref<1000000x128xf32, #tpu.memory_space<hbm>>
    tpu.enqueue_indirect_dma source(%dma_start3A_11 : memref<1000000x128xf32, #tpu.memory_space<hbm>>) target(%arg7 : memref<64x128xf32, #tpu.memory_space<vmem>>) offsets(%dma_start3A_8 : memref<64xi32, #tpu.memory_space<vmem>>) semaphore(%arg17 : memref<!tpu.dma_semaphore, #tpu.memory_space<semaphore_mem>>)
    %dma_start3A_12 = arith.constant 128 : i32
    %dma_start3A_13 = tpu.memref_slice %arg5[%dma_start3A_12] : memref<25600xi32, #tpu.memory_space<vmem>> -> memref<64xi32, #tpu.memory_space<vmem>>
    %dma_start3A_14 = arith.constant 0 : i32
    %dma_start3A_15 = arith.constant 0 : i32
    %dma_start3A_16 = tpu.memref_slice %arg3[%dma_start3A_14, %dma_start3A_15] : memref<1000000x128xf32, #tpu.memory_space<hbm>> -> memref<1000000x128xf32, #tpu.memory_space<hbm>>
    tpu.enqueue_indirect_dma source(%dma_start3A_16 : memref<1000000x128xf32, #tpu.memory_space<hbm>>) target(%arg8 : memref<64x128xf32, #tpu.memory_space<vmem>>) offsets(%dma_start3A_13 : memref<64xi32, #tpu.memory_space<vmem>>) semaphore(%arg18 : memref<!tpu.dma_semaphore, #tpu.memory_space<semaphore_mem>>)
    %dma_start3A_17 = arith.constant 192 : i32
    %dma_start3A_18 = tpu.memref_slice %arg5[%dma_start3A_17] : memref<25600xi32, #tpu.memory_space<vmem>> -> memref<64xi32, #tpu.memory_space<vmem>>
    %dma_start3A_19 = arith.constant 0 : i32
    %dma_start3A_20 = arith.constant 0 : i32
    %dma_start3A_21 = tpu.memref_slice %arg3[%dma_start3A_19, %dma_start3A_20] : memref<1000000x128xf32, #tpu.memory_space<hbm>> -> memref<1000000x128xf32, #tpu.memory_space<hbm>>
    tpu.enqueue_indirect_dma source(%dma_start3A_21 : memref<1000000x128xf32, #tpu.memory_space<hbm>>) target(%arg9 : memref<64x128xf32, #tpu.memory_space<vmem>>) offsets(%dma_start3A_18 : memref<64xi32, #tpu.memory_space<vmem>>) semaphore(%arg19 : memref<!tpu.dma_semaphore, #tpu.memory_space<semaphore_mem>>)
    %scan3A = arith.constant 0 : i32
    %scan3A_22 = arith.constant 0 : i32
    %scan3A_23 = arith.constant 80 : i32
    %scan3A_24 = arith.addi %scan3A_22, %scan3A_23 : i32
    %scan3A_25 = arith.constant 1 : i32
    scf.for %scan3A_62 = %scan3A_22 to %scan3A_24 step %scan3A_25  : i32 {
      %mul3A_63 = arith.constant 5 : i32
      %mul3A_64 = arith.muli %scan3A_62, %mul3A_63 : i32
      %add3A_65 = arith.constant 0 : i32
      %add3A_66 = arith.addi %mul3A_64, %add3A_65 : i32
      %add3A_67 = arith.constant 5 : i32
      %add3A_68 = arith.addi %add3A_66, %add3A_67 : i32
      %sub3A = arith.constant 1 : i32
      %sub3A_69 = arith.subi %add3A_68, %sub3A : i32
      %mul3A_70 = arith.constant 64 : i32
      %mul3A_71 = arith.muli %sub3A_69, %mul3A_70 : i32
      %dma_start3A_72 = tpu.memref_slice %arg5[%mul3A_71] : memref<25600xi32, #tpu.memory_space<vmem>> -> memref<64xi32, #tpu.memory_space<vmem>>
      %dma_start3A_73 = arith.constant 0 : i32
      %dma_start3A_74 = arith.constant 0 : i32
      %dma_start3A_75 = tpu.memref_slice %arg3[%dma_start3A_73, %dma_start3A_74] : memref<1000000x128xf32, #tpu.memory_space<hbm>> -> memref<1000000x128xf32, #tpu.memory_space<hbm>>
      tpu.enqueue_indirect_dma source(%dma_start3A_75 : memref<1000000x128xf32, #tpu.memory_space<hbm>>) target(%arg10 : memref<64x128xf32, #tpu.memory_space<vmem>>) offsets(%dma_start3A_72 : memref<64xi32, #tpu.memory_space<vmem>>) semaphore(%arg20 : memref<!tpu.dma_semaphore, #tpu.memory_space<semaphore_mem>>)
      %gt3A = arith.constant 0 : i32
      %gt3A_76 = arith.cmpi sgt, %scan3A_62, %gt3A : i32
      %convert_element_type3A = arith.extui %gt3A_76 : i1 to i32
      %cond3A = arith.constant 0 : i32
      %cond3A_77 = arith.cmpi ne, %convert_element_type3A, %cond3A : i32
      scf.if %cond3A_77 {
        %sub3A_218 = arith.constant 1 : i32
        %sub3A_219 = arith.subi %add3A_66, %sub3A_218 : i32
        %mul3A_220 = arith.constant 64 : i32
        %mul3A_221 = arith.muli %sub3A_219, %mul3A_220 : i32
        %add3A_222 = arith.addi %mul3A_2, %mul3A_221 : i32
        %dma_start3A_223 = arith.constant 0 : i32
        %dma_start3A_224 = tpu.memref_slice %arg4[%add3A_222, %dma_start3A_223] : memref<819200x64xf32, #tpu.memory_space<hbm>> -> memref<64x64xf32, #tpu.memory_space<hbm>>
        %dma_start3A_225 = arith.constant 0 : i32
        %dma_start3A_226 = tpu.memref_slice %arg4[%add3A_222, %dma_start3A_225] : memref<819200x64xf32, #tpu.memory_space<hbm>> -> memref<64x64xf32, #tpu.memory_space<hbm>>
        tpu.enqueue_dma source(%arg15 : memref<64x64xf32, #tpu.memory_space<vmem>>) target(%dma_start3A_226 : memref<64x64xf32, #tpu.memory_space<hbm>>) target_semaphore(%arg25 : memref<!tpu.dma_semaphore, #tpu.memory_space<semaphore_mem>>)
      } else {
      }
      %mul3A_78 = arith.constant 64 : i32
      %mul3A_79 = arith.muli %add3A_66, %mul3A_78 : i32
      %dma_wait3A_80 = tpu.memref_slice %arg5[%mul3A_79] : memref<25600xi32, #tpu.memory_space<vmem>> -> memref<64xi32, #tpu.memory_space<vmem>>
      %dma_wait3A_81 = arith.constant 0 : i32
      %dma_wait3A_82 = arith.constant 0 : i32
      %dma_wait3A_83 = tpu.memref_slice %arg3[%dma_wait3A_81, %dma_wait3A_82] : memref<1000000x128xf32, #tpu.memory_space<hbm>> -> memref<1000000x128xf32, #tpu.memory_space<hbm>>
      tpu.wait_indirect_dma semaphore(%arg16 : memref<!tpu.dma_semaphore, #tpu.memory_space<semaphore_mem>>) src(%dma_wait3A_83 : memref<1000000x128xf32, #tpu.memory_space<hbm>>) dst(%arg6 : memref<64x128xf32, #tpu.memory_space<vmem>>)
      %gt3A_84 = arith.constant 0 : i32
      %gt3A_85 = arith.cmpi sgt, %scan3A_62, %gt3A_84 : i32
      %convert_element_type3A_86 = arith.extui %gt3A_85 : i1 to i32
      %cond3A_87 = arith.constant 0 : i32
      %cond3A_88 = arith.cmpi ne, %convert_element_type3A_86, %cond3A_87 : i32
      scf.if %cond3A_88 {
        %sub3A_218 = arith.constant 5 : i32
        %sub3A_219 = arith.subi %add3A_66, %sub3A_218 : i32
        %mul3A_220 = arith.constant 64 : i32
        %mul3A_221 = arith.muli %sub3A_219, %mul3A_220 : i32
        %add3A_222 = arith.addi %mul3A_2, %mul3A_221 : i32
        %dma_wait3A_223 = arith.constant 0 : i32
        %dma_wait3A_224 = tpu.memref_slice %arg4[%add3A_222, %dma_wait3A_223] : memref<819200x64xf32, #tpu.memory_space<hbm>> -> memref<64x64xf32, #tpu.memory_space<hbm>>
        %dma_wait3A_225 = arith.constant 0 : i32
        %dma_wait3A_226 = tpu.memref_slice %arg4[%add3A_222, %dma_wait3A_225] : memref<819200x64xf32, #tpu.memory_space<hbm>> -> memref<64x64xf32, #tpu.memory_space<hbm>>
        tpu.wait_dma2 semaphore(%arg21 : memref<!tpu.dma_semaphore, #tpu.memory_space<semaphore_mem>>) src(%arg11 : memref<64x64xf32, #tpu.memory_space<vmem>>) dst(%dma_wait3A_226 : memref<64x64xf32, #tpu.memory_space<hbm>>)
      } else {
      }
      %parallel_loop3A = arith.constant 0 : i32
      %parallel_loop3A_89 = arith.constant 64 : i32
      %parallel_loop3A_90 = arith.constant 1 : i32
      scf.for %parallel_loop3A_218 = %parallel_loop3A to %parallel_loop3A_89 step %parallel_loop3A_90  : i32 {
        %parallel_loop3A_219 = arith.index_cast %parallel_loop3A_218 : i32 to index
        %parallel_loop3A_220 = arith.constant 0 : index
        %parallel_loop3A_221 = tpu.vector_load %arg6[%parallel_loop3A_219, %parallel_loop3A_220] {strides = array<i32>} : memref<64x128xf32, #tpu.memory_space<vmem>>, vector<1x16xf32>,
        %parallel_loop3A_222 = vector.shape_cast %parallel_loop3A_221 : vector<1x16xf32> to vector<16xf32>
        %parallel_loop3A_223 = arith.constant 8.000000e+00 : f32
        %parallel_loop3A_224 = vector.broadcast %parallel_loop3A_223 : f32 to vector<16xf32>
        %parallel_loop3A_225 = arith.mulf %parallel_loop3A_222, %parallel_loop3A_224 : vector<16xf32>
        %parallel_loop3A_226 = arith.index_cast %parallel_loop3A_218 : i32 to index
        %parallel_loop3A_227 = arith.constant 0 : index
        %parallel_loop3A_228 = tpu.vector_load %arg11[%parallel_loop3A_226, %parallel_loop3A_227] {strides = array<i32>} : memref<64x64xf32, #tpu.memory_space<vmem>>, vector<1x16xf32>,
        %parallel_loop3A_229 = vector.shape_cast %parallel_loop3A_228 : vector<1x16xf32> to vector<16xf32>
        %parallel_loop3A_230 = vector.shape_cast %parallel_loop3A_225 : vector<16xf32> to vector<1x16xf32>
        tpu.vector_store %arg11[%parallel_loop3A_226, %parallel_loop3A_227], %parallel_loop3A_230 {strides = array<i32>} : memref<64x64xf32, #tpu.memory_space<vmem>>, vector<1x16xf32>,
        %parallel_loop3A_231 = arith.index_cast %parallel_loop3A_218 : i32 to index
        %parallel_loop3A_232 = arith.constant 16 : index
        %parallel_loop3A_233 = tpu.vector_load %arg6[%parallel_loop3A_231, %parallel_loop3A_232] {strides = array<i32>} : memref<64x128xf32, #tpu.memory_space<vmem>>, vector<1x16xf32>,
        %parallel_loop3A_234 = vector.shape_cast %parallel_loop3A_233 : vector<1x16xf32> to vector<16xf32>
        %parallel_loop3A_235 = arith.constant 8.000000e+00 : f32
        %parallel_loop3A_236 = vector.broadcast %parallel_loop3A_235 : f32 to vector<16xf32>
        %parallel_loop3A_237 = arith.mulf %parallel_loop3A_234, %parallel_loop3A_236 : vector<16xf32>
        %parallel_loop3A_238 = arith.index_cast %parallel_loop3A_218 : i32 to index
        %parallel_loop3A_239 = arith.constant 16 : index
        %parallel_loop3A_240 = tpu.vector_load %arg11[%parallel_loop3A_238, %parallel_loop3A_239] {strides = array<i32>} : memref<64x64xf32, #tpu.memory_space<vmem>>, vector<1x16xf32>,
        %parallel_loop3A_241 = vector.shape_cast %parallel_loop3A_240 : vector<1x16xf32> to vector<16xf32>
        %parallel_loop3A_242 = vector.shape_cast %parallel_loop3A_237 : vector<16xf32> to vector<1x16xf32>
        tpu.vector_store %arg11[%parallel_loop3A_238, %parallel_loop3A_239], %parallel_loop3A_242 {strides = array<i32>} : memref<64x64xf32, #tpu.memory_space<vmem>>, vector<1x16xf32>,
        %parallel_loop3A_243 = arith.index_cast %parallel_loop3A_218 : i32 to index
        %parallel_loop3A_244 = arith.constant 32 : index
        %parallel_loop3A_245 = tpu.vector_load %arg6[%parallel_loop3A_243, %parallel_loop3A_244] {strides = array<i32>} : memref<64x128xf32, #tpu.memory_space<vmem>>, vector<1x16xf32>,
        %parallel_loop3A_246 = vector.shape_cast %parallel_loop3A_245 : vector<1x16xf32> to vector<16xf32>
        %parallel_loop3A_247 = arith.constant 8.000000e+00 : f32
        %parallel_loop3A_248 = vector.broadcast %parallel_loop3A_247 : f32 to vector<16xf32>
        %parallel_loop3A_249 = arith.mulf %parallel_loop3A_246, %parallel_loop3A_248 : vector<16xf32>
        %parallel_loop3A_250 = arith.index_cast %parallel_loop3A_218 : i32 to index
        %parallel_loop3A_251 = arith.constant 32 : index
        %parallel_loop3A_252 = tpu.vector_load %arg11[%parallel_loop3A_250, %parallel_loop3A_251] {strides = array<i32>} : memref<64x64xf32, #tpu.memory_space<vmem>>, vector<1x16xf32>,
        %parallel_loop3A_253 = vector.shape_cast %parallel_loop3A_252 : vector<1x16xf32> to vector<16xf32>
        %parallel_loop3A_254 = vector.shape_cast %parallel_loop3A_249 : vector<16xf32> to vector<1x16xf32>
        tpu.vector_store %arg11[%parallel_loop3A_250, %parallel_loop3A_251], %parallel_loop3A_254 {strides = array<i32>} : memref<64x64xf32, #tpu.memory_space<vmem>>, vector<1x16xf32>,
        %parallel_loop3A_255 = arith.index_cast %parallel_loop3A_218 : i32 to index
        %parallel_loop3A_256 = arith.constant 48 : index
        %parallel_loop3A_257 = tpu.vector_load %arg6[%parallel_loop3A_255, %parallel_loop3A_256] {strides = array<i32>} : memref<64x128xf32, #tpu.memory_space<vmem>>, vector<1x16xf32>,
        %parallel_loop3A_258 = vector.shape_cast %parallel_loop3A_257 : vector<1x16xf32> to vector<16xf32>
        %parallel_loop3A_259 = arith.constant 8.000000e+00 : f32
        %parallel_loop3A_260 = vector.broadcast %parallel_loop3A_259 : f32 to vector<16xf32>
        %parallel_loop3A_261 = arith.mulf %parallel_loop3A_258, %parallel_loop3A_260 : vector<16xf32>
        %parallel_loop3A_262 = arith.index_cast %parallel_loop3A_218 : i32 to index
        %parallel_loop3A_263 = arith.constant 48 : index
        %parallel_loop3A_264 = tpu.vector_load %arg11[%parallel_loop3A_262, %parallel_loop3A_263] {strides = array<i32>} : memref<64x64xf32, #tpu.memory_space<vmem>>, vector<1x16xf32>,
        %parallel_loop3A_265 = vector.shape_cast %parallel_loop3A_264 : vector<1x16xf32> to vector<16xf32>
        %parallel_loop3A_266 = vector.shape_cast %parallel_loop3A_261 : vector<16xf32> to vector<1x16xf32>
        tpu.vector_store %arg11[%parallel_loop3A_262, %parallel_loop3A_263], %parallel_loop3A_266 {strides = array<i32>} : memref<64x64xf32, #tpu.memory_space<vmem>>, vector<1x16xf32>,
      } {sc.loop_unroll_factor = 8 : i64, sc.parallel_access}
      %mul3A_91 = arith.constant 5 : i32
      %mul3A_92 = arith.muli %scan3A_62, %mul3A_91 : i32
      %add3A_93 = arith.constant 1 : i32
      %add3A_94 = arith.addi %mul3A_92, %add3A_93 : i32
      %lt3A = arith.constant 79 : i32
      %lt3A_95 = arith.cmpi slt, %scan3A_62, %lt3A : i32
      %convert_element_type3A_96 = arith.extui %lt3A_95 : i1 to i32
      %cond3A_97 = arith.constant 0 : i32
      %cond3A_98 = arith.cmpi ne, %convert_element_type3A_96, %cond3A_97 : i32
      scf.if %cond3A_98 {
        %add3A_218 = arith.constant 5 : i32
        %add3A_219 = arith.addi %add3A_94, %add3A_218 : i32
        %sub3A_220 = arith.constant 1 : i32
        %sub3A_221 = arith.subi %add3A_219, %sub3A_220 : i32
        %mul3A_222 = arith.constant 64 : i32
        %mul3A_223 = arith.muli %sub3A_221, %mul3A_222 : i32
        %dma_start3A_224 = tpu.memref_slice %arg5[%mul3A_223] : memref<25600xi32, #tpu.memory_space<vmem>> -> memref<64xi32, #tpu.memory_space<vmem>>
        %dma_start3A_225 = arith.constant 0 : i32
        %dma_start3A_226 = arith.constant 0 : i32
        %dma_start3A_227 = tpu.memref_slice %arg3[%dma_start3A_225, %dma_start3A_226] : memref<1000000x128xf32, #tpu.memory_space<hbm>> -> memref<1000000x128xf32, #tpu.memory_space<hbm>>
        tpu.enqueue_indirect_dma source(%dma_start3A_227 : memref<1000000x128xf32, #tpu.memory_space<hbm>>) target(%arg6 : memref<64x128xf32, #tpu.memory_space<vmem>>) offsets(%dma_start3A_224 : memref<64xi32, #tpu.memory_space<vmem>>) semaphore(%arg16 : memref<!tpu.dma_semaphore, #tpu.memory_space<semaphore_mem>>)
      } else {
      }
      %sub3A_99 = arith.constant 1 : i32
      %sub3A_100 = arith.subi %add3A_94, %sub3A_99 : i32
      %mul3A_101 = arith.constant 64 : i32
      %mul3A_102 = arith.muli %sub3A_100, %mul3A_101 : i32
      %add3A_103 = arith.addi %mul3A_2, %mul3A_102 : i32
      %dma_start3A_104 = arith.constant 0 : i32
      %dma_start3A_105 = tpu.memref_slice %arg4[%add3A_103, %dma_start3A_104] : memref<819200x64xf32, #tpu.memory_space<hbm>> -> memref<64x64xf32, #tpu.memory_space<hbm>>
      %dma_start3A_106 = arith.constant 0 : i32
      %dma_start3A_107 = tpu.memref_slice %arg4[%add3A_103, %dma_start3A_106] : memref<819200x64xf32, #tpu.memory_space<hbm>> -> memref<64x64xf32, #tpu.memory_space<hbm>>
      tpu.enqueue_dma source(%arg11 : memref<64x64xf32, #tpu.memory_space<vmem>>) target(%dma_start3A_107 : memref<64x64xf32, #tpu.memory_space<hbm>>) target_semaphore(%arg21 : memref<!tpu.dma_semaphore, #tpu.memory_space<semaphore_mem>>)
      %mul3A_108 = arith.constant 64 : i32
      %mul3A_109 = arith.muli %add3A_94, %mul3A_108 : i32
      %dma_wait3A_110 = tpu.memref_slice %arg5[%mul3A_109] : memref<25600xi32, #tpu.memory_space<vmem>> -> memref<64xi32, #tpu.memory_space<vmem>>
      %dma_wait3A_111 = arith.constant 0 : i32
      %dma_wait3A_112 = arith.constant 0 : i32
      %dma_wait3A_113 = tpu.memref_slice %arg3[%dma_wait3A_111, %dma_wait3A_112] : memref<1000000x128xf32, #tpu.memory_space<hbm>> -> memref<1000000x128xf32, #tpu.memory_space<hbm>>
      tpu.wait_indirect_dma semaphore(%arg17 : memref<!tpu.dma_semaphore, #tpu.memory_space<semaphore_mem>>) src(%dma_wait3A_113 : memref<1000000x128xf32, #tpu.memory_space<hbm>>) dst(%arg7 : memref<64x128xf32, #tpu.memory_space<vmem>>)
      %gt3A_114 = arith.constant 0 : i32
      %gt3A_115 = arith.cmpi sgt, %scan3A_62, %gt3A_114 : i32
      %convert_element_type3A_116 = arith.extui %gt3A_115 : i1 to i32
      %cond3A_117 = arith.constant 0 : i32
      %cond3A_118 = arith.cmpi ne, %convert_element_type3A_116, %cond3A_117 : i32
      scf.if %cond3A_118 {
        %sub3A_218 = arith.constant 5 : i32
        %sub3A_219 = arith.subi %add3A_94, %sub3A_218 : i32
        %mul3A_220 = arith.constant 64 : i32
        %mul3A_221 = arith.muli %sub3A_219, %mul3A_220 : i32
        %add3A_222 = arith.addi %mul3A_2, %mul3A_221 : i32
        %dma_wait3A_223 = arith.constant 0 : i32
        %dma_wait3A_224 = tpu.memref_slice %arg4[%add3A_222, %dma_wait3A_223] : memref<819200x64xf32, #tpu.memory_space<hbm>> -> memref<64x64xf32, #tpu.memory_space<hbm>>
        %dma_wait3A_225 = arith.constant 0 : i32
        %dma_wait3A_226 = tpu.memref_slice %arg4[%add3A_222, %dma_wait3A_225] : memref<819200x64xf32, #tpu.memory_space<hbm>> -> memref<64x64xf32, #tpu.memory_space<hbm>>
        tpu.wait_dma2 semaphore(%arg22 : memref<!tpu.dma_semaphore, #tpu.memory_space<semaphore_mem>>) src(%arg12 : memref<64x64xf32, #tpu.memory_space<vmem>>) dst(%dma_wait3A_226 : memref<64x64xf32, #tpu.memory_space<hbm>>)
      } else {
      }
      %parallel_loop3A_119 = arith.constant 0 : i32
      %parallel_loop3A_120 = arith.constant 64 : i32
      %parallel_loop3A_121 = arith.constant 1 : i32
      scf.for %parallel_loop3A_218 = %parallel_loop3A_119 to %parallel_loop3A_120 step %parallel_loop3A_121  : i32 {
        %parallel_loop3A_219 = arith.index_cast %parallel_loop3A_218 : i32 to index
        %parallel_loop3A_220 = arith.constant 0 : index
        %parallel_loop3A_221 = tpu.vector_load %arg7[%parallel_loop3A_219, %parallel_loop3A_220] {strides = array<i32>} : memref<64x128xf32, #tpu.memory_space<vmem>>, vector<1x16xf32>,
        %parallel_loop3A_222 = vector.shape_cast %parallel_loop3A_221 : vector<1x16xf32> to vector<16xf32>
        %parallel_loop3A_223 = arith.constant 8.000000e+00 : f32
        %parallel_loop3A_224 = vector.broadcast %parallel_loop3A_223 : f32 to vector<16xf32>
        %parallel_loop3A_225 = arith.mulf %parallel_loop3A_222, %parallel_loop3A_224 : vector<16xf32>
        %parallel_loop3A_226 = arith.index_cast %parallel_loop3A_218 : i32 to index
        %parallel_loop3A_227 = arith.constant 0 : index
        %parallel_loop3A_228 = tpu.vector_load %arg12[%parallel_loop3A_226, %parallel_loop3A_227] {strides = array<i32>} : memref<64x64xf32, #tpu.memory_space<vmem>>, vector<1x16xf32>,
        %parallel_loop3A_229 = vector.shape_cast %parallel_loop3A_228 : vector<1x16xf32> to vector<16xf32>
        %parallel_loop3A_230 = vector.shape_cast %parallel_loop3A_225 : vector<16xf32> to vector<1x16xf32>
        tpu.vector_store %arg12[%parallel_loop3A_226, %parallel_loop3A_227], %parallel_loop3A_230 {strides = array<i32>} : memref<64x64xf32, #tpu.memory_space<vmem>>, vector<1x16xf32>,
        %parallel_loop3A_231 = arith.index_cast %parallel_loop3A_218 : i32 to index
        %parallel_loop3A_232 = arith.constant 16 : index
        %parallel_loop3A_233 = tpu.vector_load %arg7[%parallel_loop3A_231, %parallel_loop3A_232] {strides = array<i32>} : memref<64x128xf32, #tpu.memory_space<vmem>>, vector<1x16xf32>,
        %parallel_loop3A_234 = vector.shape_cast %parallel_loop3A_233 : vector<1x16xf32> to vector<16xf32>
        %parallel_loop3A_235 = arith.constant 8.000000e+00 : f32
        %parallel_loop3A_236 = vector.broadcast %parallel_loop3A_235 : f32 to vector<16xf32>
        %parallel_loop3A_237 = arith.mulf %parallel_loop3A_234, %parallel_loop3A_236 : vector<16xf32>
        %parallel_loop3A_238 = arith.index_cast %parallel_loop3A_218 : i32 to index
        %parallel_loop3A_239 = arith.constant 16 : index
        %parallel_loop3A_240 = tpu.vector_load %arg12[%parallel_loop3A_238, %parallel_loop3A_239] {strides = array<i32>} : memref<64x64xf32, #tpu.memory_space<vmem>>, vector<1x16xf32>,
        %parallel_loop3A_241 = vector.shape_cast %parallel_loop3A_240 : vector<1x16xf32> to vector<16xf32>
        %parallel_loop3A_242 = vector.shape_cast %parallel_loop3A_237 : vector<16xf32> to vector<1x16xf32>
        tpu.vector_store %arg12[%parallel_loop3A_238, %parallel_loop3A_239], %parallel_loop3A_242 {strides = array<i32>} : memref<64x64xf32, #tpu.memory_space<vmem>>, vector<1x16xf32>,
        %parallel_loop3A_243 = arith.index_cast %parallel_loop3A_218 : i32 to index
        %parallel_loop3A_244 = arith.constant 32 : index
        %parallel_loop3A_245 = tpu.vector_load %arg7[%parallel_loop3A_243, %parallel_loop3A_244] {strides = array<i32>} : memref<64x128xf32, #tpu.memory_space<vmem>>, vector<1x16xf32>,
        %parallel_loop3A_246 = vector.shape_cast %parallel_loop3A_245 : vector<1x16xf32> to vector<16xf32>
        %parallel_loop3A_247 = arith.constant 8.000000e+00 : f32
        %parallel_loop3A_248 = vector.broadcast %parallel_loop3A_247 : f32 to vector<16xf32>
        %parallel_loop3A_249 = arith.mulf %parallel_loop3A_246, %parallel_loop3A_248 : vector<16xf32>
        %parallel_loop3A_250 = arith.index_cast %parallel_loop3A_218 : i32 to index
        %parallel_loop3A_251 = arith.constant 32 : index
        %parallel_loop3A_252 = tpu.vector_load %arg12[%parallel_loop3A_250, %parallel_loop3A_251] {strides = array<i32>} : memref<64x64xf32, #tpu.memory_space<vmem>>, vector<1x16xf32>,
        %parallel_loop3A_253 = vector.shape_cast %parallel_loop3A_252 : vector<1x16xf32> to vector<16xf32>
        %parallel_loop3A_254 = vector.shape_cast %parallel_loop3A_249 : vector<16xf32> to vector<1x16xf32>
        tpu.vector_store %arg12[%parallel_loop3A_250, %parallel_loop3A_251], %parallel_loop3A_254 {strides = array<i32>} : memref<64x64xf32, #tpu.memory_space<vmem>>, vector<1x16xf32>,
        %parallel_loop3A_255 = arith.index_cast %parallel_loop3A_218 : i32 to index
        %parallel_loop3A_256 = arith.constant 48 : index
        %parallel_loop3A_257 = tpu.vector_load %arg7[%parallel_loop3A_255, %parallel_loop3A_256] {strides = array<i32>} : memref<64x128xf32, #tpu.memory_space<vmem>>, vector<1x16xf32>,
        %parallel_loop3A_258 = vector.shape_cast %parallel_loop3A_257 : vector<1x16xf32> to vector<16xf32>
        %parallel_loop3A_259 = arith.constant 8.000000e+00 : f32
        %parallel_loop3A_260 = vector.broadcast %parallel_loop3A_259 : f32 to vector<16xf32>
        %parallel_loop3A_261 = arith.mulf %parallel_loop3A_258, %parallel_loop3A_260 : vector<16xf32>
        %parallel_loop3A_262 = arith.index_cast %parallel_loop3A_218 : i32 to index
        %parallel_loop3A_263 = arith.constant 48 : index
        %parallel_loop3A_264 = tpu.vector_load %arg12[%parallel_loop3A_262, %parallel_loop3A_263] {strides = array<i32>} : memref<64x64xf32, #tpu.memory_space<vmem>>, vector<1x16xf32>,
        %parallel_loop3A_265 = vector.shape_cast %parallel_loop3A_264 : vector<1x16xf32> to vector<16xf32>
        %parallel_loop3A_266 = vector.shape_cast %parallel_loop3A_261 : vector<16xf32> to vector<1x16xf32>
        tpu.vector_store %arg12[%parallel_loop3A_262, %parallel_loop3A_263], %parallel_loop3A_266 {strides = array<i32>} : memref<64x64xf32, #tpu.memory_space<vmem>>, vector<1x16xf32>,
      } {sc.loop_unroll_factor = 8 : i64, sc.parallel_access}
      %mul3A_122 = arith.constant 5 : i32
      %mul3A_123 = arith.muli %scan3A_62, %mul3A_122 : i32
      %add3A_124 = arith.constant 2 : i32
      %add3A_125 = arith.addi %mul3A_123, %add3A_124 : i32
      %lt3A_126 = arith.constant 79 : i32
      %lt3A_127 = arith.cmpi slt, %scan3A_62, %lt3A_126 : i32
      %convert_element_type3A_128 = arith.extui %lt3A_127 : i1 to i32
      %cond3A_129 = arith.constant 0 : i32
      %cond3A_130 = arith.cmpi ne, %convert_element_type3A_128, %cond3A_129 : i32
      scf.if %cond3A_130 {
        %add3A_218 = arith.constant 5 : i32
        %add3A_219 = arith.addi %add3A_125, %add3A_218 : i32
        %sub3A_220 = arith.constant 1 : i32
        %sub3A_221 = arith.subi %add3A_219, %sub3A_220 : i32
        %mul3A_222 = arith.constant 64 : i32
        %mul3A_223 = arith.muli %sub3A_221, %mul3A_222 : i32
        %dma_start3A_224 = tpu.memref_slice %arg5[%mul3A_223] : memref<25600xi32, #tpu.memory_space<vmem>> -> memref<64xi32, #tpu.memory_space<vmem>>
        %dma_start3A_225 = arith.constant 0 : i32
        %dma_start3A_226 = arith.constant 0 : i32
        %dma_start3A_227 = tpu.memref_slice %arg3[%dma_start3A_225, %dma_start3A_226] : memref<1000000x128xf32, #tpu.memory_space<hbm>> -> memref<1000000x128xf32, #tpu.memory_space<hbm>>
        tpu.enqueue_indirect_dma source(%dma_start3A_227 : memref<1000000x128xf32, #tpu.memory_space<hbm>>) target(%arg7 : memref<64x128xf32, #tpu.memory_space<vmem>>) offsets(%dma_start3A_224 : memref<64xi32, #tpu.memory_space<vmem>>) semaphore(%arg17 : memref<!tpu.dma_semaphore, #tpu.memory_space<semaphore_mem>>)
      } else {
      }
      %sub3A_131 = arith.constant 1 : i32
      %sub3A_132 = arith.subi %add3A_125, %sub3A_131 : i32
      %mul3A_133 = arith.constant 64 : i32
      %mul3A_134 = arith.muli %sub3A_132, %mul3A_133 : i32
      %add3A_135 = arith.addi %mul3A_2, %mul3A_134 : i32
      %dma_start3A_136 = arith.constant 0 : i32
      %dma_start3A_137 = tpu.memref_slice %arg4[%add3A_135, %dma_start3A_136] : memref<819200x64xf32, #tpu.memory_space<hbm>> -> memref<64x64xf32, #tpu.memory_space<hbm>>
      %dma_start3A_138 = arith.constant 0 : i32
      %dma_start3A_139 = tpu.memref_slice %arg4[%add3A_135, %dma_start3A_138] : memref<819200x64xf32, #tpu.memory_space<hbm>> -> memref<64x64xf32, #tpu.memory_space<hbm>>
      tpu.enqueue_dma source(%arg12 : memref<64x64xf32, #tpu.memory_space<vmem>>) target(%dma_start3A_139 : memref<64x64xf32, #tpu.memory_space<hbm>>) target_semaphore(%arg22 : memref<!tpu.dma_semaphore, #tpu.memory_space<semaphore_mem>>)
      %mul3A_140 = arith.constant 64 : i32
      %mul3A_141 = arith.muli %add3A_125, %mul3A_140 : i32
      %dma_wait3A_142 = tpu.memref_slice %arg5[%mul3A_141] : memref<25600xi32, #tpu.memory_space<vmem>> -> memref<64xi32, #tpu.memory_space<vmem>>
      %dma_wait3A_143 = arith.constant 0 : i32
      %dma_wait3A_144 = arith.constant 0 : i32
      %dma_wait3A_145 = tpu.memref_slice %arg3[%dma_wait3A_143, %dma_wait3A_144] : memref<1000000x128xf32, #tpu.memory_space<hbm>> -> memref<1000000x128xf32, #tpu.memory_space<hbm>>
      tpu.wait_indirect_dma semaphore(%arg18 : memref<!tpu.dma_semaphore, #tpu.memory_space<semaphore_mem>>) src(%dma_wait3A_145 : memref<1000000x128xf32, #tpu.memory_space<hbm>>) dst(%arg8 : memref<64x128xf32, #tpu.memory_space<vmem>>)
      %gt3A_146 = arith.constant 0 : i32
      %gt3A_147 = arith.cmpi sgt, %scan3A_62, %gt3A_146 : i32
      %convert_element_type3A_148 = arith.extui %gt3A_147 : i1 to i32
      %cond3A_149 = arith.constant 0 : i32
      %cond3A_150 = arith.cmpi ne, %convert_element_type3A_148, %cond3A_149 : i32
      scf.if %cond3A_150 {
        %sub3A_218 = arith.constant 5 : i32
        %sub3A_219 = arith.subi %add3A_125, %sub3A_218 : i32
        %mul3A_220 = arith.constant 64 : i32
        %mul3A_221 = arith.muli %sub3A_219, %mul3A_220 : i32
        %add3A_222 = arith.addi %mul3A_2, %mul3A_221 : i32
        %dma_wait3A_223 = arith.constant 0 : i32
        %dma_wait3A_224 = tpu.memref_slice %arg4[%add3A_222, %dma_wait3A_223] : memref<819200x64xf32, #tpu.memory_space<hbm>> -> memref<64x64xf32, #tpu.memory_space<hbm>>
        %dma_wait3A_225 = arith.constant 0 : i32
        %dma_wait3A_226 = tpu.memref_slice %arg4[%add3A_222, %dma_wait3A_225] : memref<819200x64xf32, #tpu.memory_space<hbm>> -> memref<64x64xf32, #tpu.memory_space<hbm>>
        tpu.wait_dma2 semaphore(%arg23 : memref<!tpu.dma_semaphore, #tpu.memory_space<semaphore_mem>>) src(%arg13 : memref<64x64xf32, #tpu.memory_space<vmem>>) dst(%dma_wait3A_226 : memref<64x64xf32, #tpu.memory_space<hbm>>)
      } else {
      }
      %parallel_loop3A_151 = arith.constant 0 : i32
      %parallel_loop3A_152 = arith.constant 64 : i32
      %parallel_loop3A_153 = arith.constant 1 : i32
      scf.for %parallel_loop3A_218 = %parallel_loop3A_151 to %parallel_loop3A_152 step %parallel_loop3A_153  : i32 {
        %parallel_loop3A_219 = arith.index_cast %parallel_loop3A_218 : i32 to index
        %parallel_loop3A_220 = arith.constant 0 : index
        %parallel_loop3A_221 = tpu.vector_load %arg8[%parallel_loop3A_219, %parallel_loop3A_220] {strides = array<i32>} : memref<64x128xf32, #tpu.memory_space<vmem>>, vector<1x16xf32>,
        %parallel_loop3A_222 = vector.shape_cast %parallel_loop3A_221 : vector<1x16xf32> to vector<16xf32>
        %parallel_loop3A_223 = arith.constant 8.000000e+00 : f32
        %parallel_loop3A_224 = vector.broadcast %parallel_loop3A_223 : f32 to vector<16xf32>
        %parallel_loop3A_225 = arith.mulf %parallel_loop3A_222, %parallel_loop3A_224 : vector<16xf32>
        %parallel_loop3A_226 = arith.index_cast %parallel_loop3A_218 : i32 to index
        %parallel_loop3A_227 = arith.constant 0 : index
        %parallel_loop3A_228 = tpu.vector_load %arg13[%parallel_loop3A_226, %parallel_loop3A_227] {strides = array<i32>} : memref<64x64xf32, #tpu.memory_space<vmem>>, vector<1x16xf32>,
        %parallel_loop3A_229 = vector.shape_cast %parallel_loop3A_228 : vector<1x16xf32> to vector<16xf32>
        %parallel_loop3A_230 = vector.shape_cast %parallel_loop3A_225 : vector<16xf32> to vector<1x16xf32>
        tpu.vector_store %arg13[%parallel_loop3A_226, %parallel_loop3A_227], %parallel_loop3A_230 {strides = array<i32>} : memref<64x64xf32, #tpu.memory_space<vmem>>, vector<1x16xf32>,
        %parallel_loop3A_231 = arith.index_cast %parallel_loop3A_218 : i32 to index
        %parallel_loop3A_232 = arith.constant 16 : index
        %parallel_loop3A_233 = tpu.vector_load %arg8[%parallel_loop3A_231, %parallel_loop3A_232] {strides = array<i32>} : memref<64x128xf32, #tpu.memory_space<vmem>>, vector<1x16xf32>,
        %parallel_loop3A_234 = vector.shape_cast %parallel_loop3A_233 : vector<1x16xf32> to vector<16xf32>
        %parallel_loop3A_235 = arith.constant 8.000000e+00 : f32
        %parallel_loop3A_236 = vector.broadcast %parallel_loop3A_235 : f32 to vector<16xf32>
        %parallel_loop3A_237 = arith.mulf %parallel_loop3A_234, %parallel_loop3A_236 : vector<16xf32>
        %parallel_loop3A_238 = arith.index_cast %parallel_loop3A_218 : i32 to index
        %parallel_loop3A_239 = arith.constant 16 : index
        %parallel_loop3A_240 = tpu.vector_load %arg13[%parallel_loop3A_238, %parallel_loop3A_239] {strides = array<i32>} : memref<64x64xf32, #tpu.memory_space<vmem>>, vector<1x16xf32>,
        %parallel_loop3A_241 = vector.shape_cast %parallel_loop3A_240 : vector<1x16xf32> to vector<16xf32>
        %parallel_loop3A_242 = vector.shape_cast %parallel_loop3A_237 : vector<16xf32> to vector<1x16xf32>
        tpu.vector_store %arg13[%parallel_loop3A_238, %parallel_loop3A_239], %parallel_loop3A_242 {strides = array<i32>} : memref<64x64xf32, #tpu.memory_space<vmem>>, vector<1x16xf32>,
        %parallel_loop3A_243 = arith.index_cast %parallel_loop3A_218 : i32 to index
        %parallel_loop3A_244 = arith.constant 32 : index
        %parallel_loop3A_245 = tpu.vector_load %arg8[%parallel_loop3A_243, %parallel_loop3A_244] {strides = array<i32>} : memref<64x128xf32, #tpu.memory_space<vmem>>, vector<1x16xf32>,
        %parallel_loop3A_246 = vector.shape_cast %parallel_loop3A_245 : vector<1x16xf32> to vector<16xf32>
        %parallel_loop3A_247 = arith.constant 8.000000e+00 : f32
        %parallel_loop3A_248 = vector.broadcast %parallel_loop3A_247 : f32 to vector<16xf32>
        %parallel_loop3A_249 = arith.mulf %parallel_loop3A_246, %parallel_loop3A_248 : vector<16xf32>
        %parallel_loop3A_250 = arith.index_cast %parallel_loop3A_218 : i32 to index
        %parallel_loop3A_251 = arith.constant 32 : index
        %parallel_loop3A_252 = tpu.vector_load %arg13[%parallel_loop3A_250, %parallel_loop3A_251] {strides = array<i32>} : memref<64x64xf32, #tpu.memory_space<vmem>>, vector<1x16xf32>,
        %parallel_loop3A_253 = vector.shape_cast %parallel_loop3A_252 : vector<1x16xf32> to vector<16xf32>
        %parallel_loop3A_254 = vector.shape_cast %parallel_loop3A_249 : vector<16xf32> to vector<1x16xf32>
        tpu.vector_store %arg13[%parallel_loop3A_250, %parallel_loop3A_251], %parallel_loop3A_254 {strides = array<i32>} : memref<64x64xf32, #tpu.memory_space<vmem>>, vector<1x16xf32>,
        %parallel_loop3A_255 = arith.index_cast %parallel_loop3A_218 : i32 to index
        %parallel_loop3A_256 = arith.constant 48 : index
        %parallel_loop3A_257 = tpu.vector_load %arg8[%parallel_loop3A_255, %parallel_loop3A_256] {strides = array<i32>} : memref<64x128xf32, #tpu.memory_space<vmem>>, vector<1x16xf32>,
        %parallel_loop3A_258 = vector.shape_cast %parallel_loop3A_257 : vector<1x16xf32> to vector<16xf32>
        %parallel_loop3A_259 = arith.constant 8.000000e+00 : f32
        %parallel_loop3A_260 = vector.broadcast %parallel_loop3A_259 : f32 to vector<16xf32>
        %parallel_loop3A_261 = arith.mulf %parallel_loop3A_258, %parallel_loop3A_260 : vector<16xf32>
        %parallel_loop3A_262 = arith.index_cast %parallel_loop3A_218 : i32 to index
        %parallel_loop3A_263 = arith.constant 48 : index
        %parallel_loop3A_264 = tpu.vector_load %arg13[%parallel_loop3A_262, %parallel_loop3A_263] {strides = array<i32>} : memref<64x64xf32, #tpu.memory_space<vmem>>, vector<1x16xf32>,
        %parallel_loop3A_265 = vector.shape_cast %parallel_loop3A_264 : vector<1x16xf32> to vector<16xf32>
        %parallel_loop3A_266 = vector.shape_cast %parallel_loop3A_261 : vector<16xf32> to vector<1x16xf32>
        tpu.vector_store %arg13[%parallel_loop3A_262, %parallel_loop3A_263], %parallel_loop3A_266 {strides = array<i32>} : memref<64x64xf32, #tpu.memory_space<vmem>>, vector<1x16xf32>,
      } {sc.loop_unroll_factor = 8 : i64, sc.parallel_access}
      %mul3A_154 = arith.constant 5 : i32
      %mul3A_155 = arith.muli %scan3A_62, %mul3A_154 : i32
      %add3A_156 = arith.constant 3 : i32
      %add3A_157 = arith.addi %mul3A_155, %add3A_156 : i32
      %lt3A_158 = arith.constant 79 : i32
      %lt3A_159 = arith.cmpi slt, %scan3A_62, %lt3A_158 : i32
      %convert_element_type3A_160 = arith.extui %lt3A_159 : i1 to i32
      %cond3A_161 = arith.constant 0 : i32
      %cond3A_162 = arith.cmpi ne, %convert_element_type3A_160, %cond3A_161 : i32
      scf.if %cond3A_162 {
        %add3A_218 = arith.constant 5 : i32
        %add3A_219 = arith.addi %add3A_157, %add3A_218 : i32
        %sub3A_220 = arith.constant 1 : i32
        %sub3A_221 = arith.subi %add3A_219, %sub3A_220 : i32
        %mul3A_222 = arith.constant 64 : i32
        %mul3A_223 = arith.muli %sub3A_221, %mul3A_222 : i32
        %dma_start3A_224 = tpu.memref_slice %arg5[%mul3A_223] : memref<25600xi32, #tpu.memory_space<vmem>> -> memref<64xi32, #tpu.memory_space<vmem>>
        %dma_start3A_225 = arith.constant 0 : i32
        %dma_start3A_226 = arith.constant 0 : i32
        %dma_start3A_227 = tpu.memref_slice %arg3[%dma_start3A_225, %dma_start3A_226] : memref<1000000x128xf32, #tpu.memory_space<hbm>> -> memref<1000000x128xf32, #tpu.memory_space<hbm>>
        tpu.enqueue_indirect_dma source(%dma_start3A_227 : memref<1000000x128xf32, #tpu.memory_space<hbm>>) target(%arg8 : memref<64x128xf32, #tpu.memory_space<vmem>>) offsets(%dma_start3A_224 : memref<64xi32, #tpu.memory_space<vmem>>) semaphore(%arg18 : memref<!tpu.dma_semaphore, #tpu.memory_space<semaphore_mem>>)
      } else {
      }
      %sub3A_163 = arith.constant 1 : i32
      %sub3A_164 = arith.subi %add3A_157, %sub3A_163 : i32
      %mul3A_165 = arith.constant 64 : i32
      %mul3A_166 = arith.muli %sub3A_164, %mul3A_165 : i32
      %add3A_167 = arith.addi %mul3A_2, %mul3A_166 : i32
      %dma_start3A_168 = arith.constant 0 : i32
      %dma_start3A_169 = tpu.memref_slice %arg4[%add3A_167, %dma_start3A_168] : memref<819200x64xf32, #tpu.memory_space<hbm>> -> memref<64x64xf32, #tpu.memory_space<hbm>>
      %dma_start3A_170 = arith.constant 0 : i32
      %dma_start3A_171 = tpu.memref_slice %arg4[%add3A_167, %dma_start3A_170] : memref<819200x64xf32, #tpu.memory_space<hbm>> -> memref<64x64xf32, #tpu.memory_space<hbm>>
      tpu.enqueue_dma source(%arg13 : memref<64x64xf32, #tpu.memory_space<vmem>>) target(%dma_start3A_171 : memref<64x64xf32, #tpu.memory_space<hbm>>) target_semaphore(%arg23 : memref<!tpu.dma_semaphore, #tpu.memory_space<semaphore_mem>>)
      %mul3A_172 = arith.constant 64 : i32
      %mul3A_173 = arith.muli %add3A_157, %mul3A_172 : i32
      %dma_wait3A_174 = tpu.memref_slice %arg5[%mul3A_173] : memref<25600xi32, #tpu.memory_space<vmem>> -> memref<64xi32, #tpu.memory_space<vmem>>
      %dma_wait3A_175 = arith.constant 0 : i32
      %dma_wait3A_176 = arith.constant 0 : i32
      %dma_wait3A_177 = tpu.memref_slice %arg3[%dma_wait3A_175, %dma_wait3A_176] : memref<1000000x128xf32, #tpu.memory_space<hbm>> -> memref<1000000x128xf32, #tpu.memory_space<hbm>>
      tpu.wait_indirect_dma semaphore(%arg19 : memref<!tpu.dma_semaphore, #tpu.memory_space<semaphore_mem>>) src(%dma_wait3A_177 : memref<1000000x128xf32, #tpu.memory_space<hbm>>) dst(%arg9 : memref<64x128xf32, #tpu.memory_space<vmem>>)
      %gt3A_178 = arith.constant 0 : i32
      %gt3A_179 = arith.cmpi sgt, %scan3A_62, %gt3A_178 : i32
      %convert_element_type3A_180 = arith.extui %gt3A_179 : i1 to i32
      %cond3A_181 = arith.constant 0 : i32
      %cond3A_182 = arith.cmpi ne, %convert_element_type3A_180, %cond3A_181 : i32
      scf.if %cond3A_182 {
        %sub3A_218 = arith.constant 5 : i32
        %sub3A_219 = arith.subi %add3A_157, %sub3A_218 : i32
        %mul3A_220 = arith.constant 64 : i32
        %mul3A_221 = arith.muli %sub3A_219, %mul3A_220 : i32
        %add3A_222 = arith.addi %mul3A_2, %mul3A_221 : i32
        %dma_wait3A_223 = arith.constant 0 : i32
        %dma_wait3A_224 = tpu.memref_slice %arg4[%add3A_222, %dma_wait3A_223] : memref<819200x64xf32, #tpu.memory_space<hbm>> -> memref<64x64xf32, #tpu.memory_space<hbm>>
        %dma_wait3A_225 = arith.constant 0 : i32
        %dma_wait3A_226 = tpu.memref_slice %arg4[%add3A_222, %dma_wait3A_225] : memref<819200x64xf32, #tpu.memory_space<hbm>> -> memref<64x64xf32, #tpu.memory_space<hbm>>
        tpu.wait_dma2 semaphore(%arg24 : memref<!tpu.dma_semaphore, #tpu.memory_space<semaphore_mem>>) src(%arg14 : memref<64x64xf32, #tpu.memory_space<vmem>>) dst(%dma_wait3A_226 : memref<64x64xf32, #tpu.memory_space<hbm>>)
      } else {
      }
      %parallel_loop3A_183 = arith.constant 0 : i32
      %parallel_loop3A_184 = arith.constant 64 : i32
      %parallel_loop3A_185 = arith.constant 1 : i32
      scf.for %parallel_loop3A_218 = %parallel_loop3A_183 to %parallel_loop3A_184 step %parallel_loop3A_185  : i32 {
        %parallel_loop3A_219 = arith.index_cast %parallel_loop3A_218 : i32 to index
        %parallel_loop3A_220 = arith.constant 0 : index
        %parallel_loop3A_221 = tpu.vector_load %arg9[%parallel_loop3A_219, %parallel_loop3A_220] {strides = array<i32>} : memref<64x128xf32, #tpu.memory_space<vmem>>, vector<1x16xf32>,
        %parallel_loop3A_222 = vector.shape_cast %parallel_loop3A_221 : vector<1x16xf32> to vector<16xf32>
        %parallel_loop3A_223 = arith.constant 8.000000e+00 : f32
        %parallel_loop3A_224 = vector.broadcast %parallel_loop3A_223 : f32 to vector<16xf32>
        %parallel_loop3A_225 = arith.mulf %parallel_loop3A_222, %parallel_loop3A_224 : vector<16xf32>
        %parallel_loop3A_226 = arith.index_cast %parallel_loop3A_218 : i32 to index
        %parallel_loop3A_227 = arith.constant 0 : index
        %parallel_loop3A_228 = tpu.vector_load %arg14[%parallel_loop3A_226, %parallel_loop3A_227] {strides = array<i32>} : memref<64x64xf32, #tpu.memory_space<vmem>>, vector<1x16xf32>,
        %parallel_loop3A_229 = vector.shape_cast %parallel_loop3A_228 : vector<1x16xf32> to vector<16xf32>
        %parallel_loop3A_230 = vector.shape_cast %parallel_loop3A_225 : vector<16xf32> to vector<1x16xf32>
        tpu.vector_store %arg14[%parallel_loop3A_226, %parallel_loop3A_227], %parallel_loop3A_230 {strides = array<i32>} : memref<64x64xf32, #tpu.memory_space<vmem>>, vector<1x16xf32>,
        %parallel_loop3A_231 = arith.index_cast %parallel_loop3A_218 : i32 to index
        %parallel_loop3A_232 = arith.constant 16 : index
        %parallel_loop3A_233 = tpu.vector_load %arg9[%parallel_loop3A_231, %parallel_loop3A_232] {strides = array<i32>} : memref<64x128xf32, #tpu.memory_space<vmem>>, vector<1x16xf32>,
        %parallel_loop3A_234 = vector.shape_cast %parallel_loop3A_233 : vector<1x16xf32> to vector<16xf32>
        %parallel_loop3A_235 = arith.constant 8.000000e+00 : f32
        %parallel_loop3A_236 = vector.broadcast %parallel_loop3A_235 : f32 to vector<16xf32>
        %parallel_loop3A_237 = arith.mulf %parallel_loop3A_234, %parallel_loop3A_236 : vector<16xf32>
        %parallel_loop3A_238 = arith.index_cast %parallel_loop3A_218 : i32 to index
        %parallel_loop3A_239 = arith.constant 16 : index
        %parallel_loop3A_240 = tpu.vector_load %arg14[%parallel_loop3A_238, %parallel_loop3A_239] {strides = array<i32>} : memref<64x64xf32, #tpu.memory_space<vmem>>, vector<1x16xf32>,
        %parallel_loop3A_241 = vector.shape_cast %parallel_loop3A_240 : vector<1x16xf32> to vector<16xf32>
        %parallel_loop3A_242 = vector.shape_cast %parallel_loop3A_237 : vector<16xf32> to vector<1x16xf32>
        tpu.vector_store %arg14[%parallel_loop3A_238, %parallel_loop3A_239], %parallel_loop3A_242 {strides = array<i32>} : memref<64x64xf32, #tpu.memory_space<vmem>>, vector<1x16xf32>,
        %parallel_loop3A_243 = arith.index_cast %parallel_loop3A_218 : i32 to index
        %parallel_loop3A_244 = arith.constant 32 : index
        %parallel_loop3A_245 = tpu.vector_load %arg9[%parallel_loop3A_243, %parallel_loop3A_244] {strides = array<i32>} : memref<64x128xf32, #tpu.memory_space<vmem>>, vector<1x16xf32>,
        %parallel_loop3A_246 = vector.shape_cast %parallel_loop3A_245 : vector<1x16xf32> to vector<16xf32>
        %parallel_loop3A_247 = arith.constant 8.000000e+00 : f32
        %parallel_loop3A_248 = vector.broadcast %parallel_loop3A_247 : f32 to vector<16xf32>
        %parallel_loop3A_249 = arith.mulf %parallel_loop3A_246, %parallel_loop3A_248 : vector<16xf32>
        %parallel_loop3A_250 = arith.index_cast %parallel_loop3A_218 : i32 to index
        %parallel_loop3A_251 = arith.constant 32 : index
        %parallel_loop3A_252 = tpu.vector_load %arg14[%parallel_loop3A_250, %parallel_loop3A_251] {strides = array<i32>} : memref<64x64xf32, #tpu.memory_space<vmem>>, vector<1x16xf32>,
        %parallel_loop3A_253 = vector.shape_cast %parallel_loop3A_252 : vector<1x16xf32> to vector<16xf32>
        %parallel_loop3A_254 = vector.shape_cast %parallel_loop3A_249 : vector<16xf32> to vector<1x16xf32>
        tpu.vector_store %arg14[%parallel_loop3A_250, %parallel_loop3A_251], %parallel_loop3A_254 {strides = array<i32>} : memref<64x64xf32, #tpu.memory_space<vmem>>, vector<1x16xf32>,
        %parallel_loop3A_255 = arith.index_cast %parallel_loop3A_218 : i32 to index
        %parallel_loop3A_256 = arith.constant 48 : index
        %parallel_loop3A_257 = tpu.vector_load %arg9[%parallel_loop3A_255, %parallel_loop3A_256] {strides = array<i32>} : memref<64x128xf32, #tpu.memory_space<vmem>>, vector<1x16xf32>,
        %parallel_loop3A_258 = vector.shape_cast %parallel_loop3A_257 : vector<1x16xf32> to vector<16xf32>
        %parallel_loop3A_259 = arith.constant 8.000000e+00 : f32
        %parallel_loop3A_260 = vector.broadcast %parallel_loop3A_259 : f32 to vector<16xf32>
        %parallel_loop3A_261 = arith.mulf %parallel_loop3A_258, %parallel_loop3A_260 : vector<16xf32>
        %parallel_loop3A_262 = arith.index_cast %parallel_loop3A_218 : i32 to index
        %parallel_loop3A_263 = arith.constant 48 : index
        %parallel_loop3A_264 = tpu.vector_load %arg14[%parallel_loop3A_262, %parallel_loop3A_263] {strides = array<i32>} : memref<64x64xf32, #tpu.memory_space<vmem>>, vector<1x16xf32>,
        %parallel_loop3A_265 = vector.shape_cast %parallel_loop3A_264 : vector<1x16xf32> to vector<16xf32>
        %parallel_loop3A_266 = vector.shape_cast %parallel_loop3A_261 : vector<16xf32> to vector<1x16xf32>
        tpu.vector_store %arg14[%parallel_loop3A_262, %parallel_loop3A_263], %parallel_loop3A_266 {strides = array<i32>} : memref<64x64xf32, #tpu.memory_space<vmem>>, vector<1x16xf32>,
      } {sc.loop_unroll_factor = 8 : i64, sc.parallel_access}
      %mul3A_186 = arith.constant 5 : i32
      %mul3A_187 = arith.muli %scan3A_62, %mul3A_186 : i32
      %add3A_188 = arith.constant 4 : i32
      %add3A_189 = arith.addi %mul3A_187, %add3A_188 : i32
      %lt3A_190 = arith.constant 79 : i32
      %lt3A_191 = arith.cmpi slt, %scan3A_62, %lt3A_190 : i32
      %convert_element_type3A_192 = arith.extui %lt3A_191 : i1 to i32
      %cond3A_193 = arith.constant 0 : i32
      %cond3A_194 = arith.cmpi ne, %convert_element_type3A_192, %cond3A_193 : i32
      scf.if %cond3A_194 {
        %add3A_218 = arith.constant 5 : i32
        %add3A_219 = arith.addi %add3A_189, %add3A_218 : i32
        %sub3A_220 = arith.constant 1 : i32
        %sub3A_221 = arith.subi %add3A_219, %sub3A_220 : i32
        %mul3A_222 = arith.constant 64 : i32
        %mul3A_223 = arith.muli %sub3A_221, %mul3A_222 : i32
        %dma_start3A_224 = tpu.memref_slice %arg5[%mul3A_223] : memref<25600xi32, #tpu.memory_space<vmem>> -> memref<64xi32, #tpu.memory_space<vmem>>
        %dma_start3A_225 = arith.constant 0 : i32
        %dma_start3A_226 = arith.constant 0 : i32
        %dma_start3A_227 = tpu.memref_slice %arg3[%dma_start3A_225, %dma_start3A_226] : memref<1000000x128xf32, #tpu.memory_space<hbm>> -> memref<1000000x128xf32, #tpu.memory_space<hbm>>
        tpu.enqueue_indirect_dma source(%dma_start3A_227 : memref<1000000x128xf32, #tpu.memory_space<hbm>>) target(%arg9 : memref<64x128xf32, #tpu.memory_space<vmem>>) offsets(%dma_start3A_224 : memref<64xi32, #tpu.memory_space<vmem>>) semaphore(%arg19 : memref<!tpu.dma_semaphore, #tpu.memory_space<semaphore_mem>>)
      } else {
      }
      %sub3A_195 = arith.constant 1 : i32
      %sub3A_196 = arith.subi %add3A_189, %sub3A_195 : i32
      %mul3A_197 = arith.constant 64 : i32
      %mul3A_198 = arith.muli %sub3A_196, %mul3A_197 : i32
      %add3A_199 = arith.addi %mul3A_2, %mul3A_198 : i32
      %dma_start3A_200 = arith.constant 0 : i32
      %dma_start3A_201 = tpu.memref_slice %arg4[%add3A_199, %dma_start3A_200] : memref<819200x64xf32, #tpu.memory_space<hbm>> -> memref<64x64xf32, #tpu.memory_space<hbm>>
      %dma_start3A_202 = arith.constant 0 : i32
      %dma_start3A_203 = tpu.memref_slice %arg4[%add3A_199, %dma_start3A_202] : memref<819200x64xf32, #tpu.memory_space<hbm>> -> memref<64x64xf32, #tpu.memory_space<hbm>>
      tpu.enqueue_dma source(%arg14 : memref<64x64xf32, #tpu.memory_space<vmem>>) target(%dma_start3A_203 : memref<64x64xf32, #tpu.memory_space<hbm>>) target_semaphore(%arg24 : memref<!tpu.dma_semaphore, #tpu.memory_space<semaphore_mem>>)
      %mul3A_204 = arith.constant 64 : i32
      %mul3A_205 = arith.muli %add3A_189, %mul3A_204 : i32
      %dma_wait3A_206 = tpu.memref_slice %arg5[%mul3A_205] : memref<25600xi32, #tpu.memory_space<vmem>> -> memref<64xi32, #tpu.memory_space<vmem>>
      %dma_wait3A_207 = arith.constant 0 : i32
      %dma_wait3A_208 = arith.constant 0 : i32
      %dma_wait3A_209 = tpu.memref_slice %arg3[%dma_wait3A_207, %dma_wait3A_208] : memref<1000000x128xf32, #tpu.memory_space<hbm>> -> memref<1000000x128xf32, #tpu.memory_space<hbm>>
      tpu.wait_indirect_dma semaphore(%arg20 : memref<!tpu.dma_semaphore, #tpu.memory_space<semaphore_mem>>) src(%dma_wait3A_209 : memref<1000000x128xf32, #tpu.memory_space<hbm>>) dst(%arg10 : memref<64x128xf32, #tpu.memory_space<vmem>>)
      %gt3A_210 = arith.constant 0 : i32
      %gt3A_211 = arith.cmpi sgt, %scan3A_62, %gt3A_210 : i32
      %convert_element_type3A_212 = arith.extui %gt3A_211 : i1 to i32
      %cond3A_213 = arith.constant 0 : i32
      %cond3A_214 = arith.cmpi ne, %convert_element_type3A_212, %cond3A_213 : i32
      scf.if %cond3A_214 {
        %sub3A_218 = arith.constant 5 : i32
        %sub3A_219 = arith.subi %add3A_189, %sub3A_218 : i32
        %mul3A_220 = arith.constant 64 : i32
        %mul3A_221 = arith.muli %sub3A_219, %mul3A_220 : i32
        %add3A_222 = arith.addi %mul3A_2, %mul3A_221 : i32
        %dma_wait3A_223 = arith.constant 0 : i32
        %dma_wait3A_224 = tpu.memref_slice %arg4[%add3A_222, %dma_wait3A_223] : memref<819200x64xf32, #tpu.memory_space<hbm>> -> memref<64x64xf32, #tpu.memory_space<hbm>>
        %dma_wait3A_225 = arith.constant 0 : i32
        %dma_wait3A_226 = tpu.memref_slice %arg4[%add3A_222, %dma_wait3A_225] : memref<819200x64xf32, #tpu.memory_space<hbm>> -> memref<64x64xf32, #tpu.memory_space<hbm>>
        tpu.wait_dma2 semaphore(%arg25 : memref<!tpu.dma_semaphore, #tpu.memory_space<semaphore_mem>>) src(%arg15 : memref<64x64xf32, #tpu.memory_space<vmem>>) dst(%dma_wait3A_226 : memref<64x64xf32, #tpu.memory_space<hbm>>)
      } else {
      }
      %parallel_loop3A_215 = arith.constant 0 : i32
      %parallel_loop3A_216 = arith.constant 64 : i32
      %parallel_loop3A_217 = arith.constant 1 : i32
      scf.for %parallel_loop3A_218 = %parallel_loop3A_215 to %parallel_loop3A_216 step %parallel_loop3A_217  : i32 {
        %parallel_loop3A_219 = arith.index_cast %parallel_loop3A_218 : i32 to index
        %parallel_loop3A_220 = arith.constant 0 : index
        %parallel_loop3A_221 = tpu.vector_load %arg10[%parallel_loop3A_219, %parallel_loop3A_220] {strides = array<i32>} : memref<64x128xf32, #tpu.memory_space<vmem>>, vector<1x16xf32>,
        %parallel_loop3A_222 = vector.shape_cast %parallel_loop3A_221 : vector<1x16xf32> to vector<16xf32>
        %parallel_loop3A_223 = arith.constant 8.000000e+00 : f32
        %parallel_loop3A_224 = vector.broadcast %parallel_loop3A_223 : f32 to vector<16xf32>
        %parallel_loop3A_225 = arith.mulf %parallel_loop3A_222, %parallel_loop3A_224 : vector<16xf32>
        %parallel_loop3A_226 = arith.index_cast %parallel_loop3A_218 : i32 to index
        %parallel_loop3A_227 = arith.constant 0 : index
        %parallel_loop3A_228 = tpu.vector_load %arg15[%parallel_loop3A_226, %parallel_loop3A_227] {strides = array<i32>} : memref<64x64xf32, #tpu.memory_space<vmem>>, vector<1x16xf32>,
        %parallel_loop3A_229 = vector.shape_cast %parallel_loop3A_228 : vector<1x16xf32> to vector<16xf32>
        %parallel_loop3A_230 = vector.shape_cast %parallel_loop3A_225 : vector<16xf32> to vector<1x16xf32>
        tpu.vector_store %arg15[%parallel_loop3A_226, %parallel_loop3A_227], %parallel_loop3A_230 {strides = array<i32>} : memref<64x64xf32, #tpu.memory_space<vmem>>, vector<1x16xf32>,
        %parallel_loop3A_231 = arith.index_cast %parallel_loop3A_218 : i32 to index
        %parallel_loop3A_232 = arith.constant 16 : index
        %parallel_loop3A_233 = tpu.vector_load %arg10[%parallel_loop3A_231, %parallel_loop3A_232] {strides = array<i32>} : memref<64x128xf32, #tpu.memory_space<vmem>>, vector<1x16xf32>,
        %parallel_loop3A_234 = vector.shape_cast %parallel_loop3A_233 : vector<1x16xf32> to vector<16xf32>
        %parallel_loop3A_235 = arith.constant 8.000000e+00 : f32
        %parallel_loop3A_236 = vector.broadcast %parallel_loop3A_235 : f32 to vector<16xf32>
        %parallel_loop3A_237 = arith.mulf %parallel_loop3A_234, %parallel_loop3A_236 : vector<16xf32>
        %parallel_loop3A_238 = arith.index_cast %parallel_loop3A_218 : i32 to index
        %parallel_loop3A_239 = arith.constant 16 : index
        %parallel_loop3A_240 = tpu.vector_load %arg15[%parallel_loop3A_238, %parallel_loop3A_239] {strides = array<i32>} : memref<64x64xf32, #tpu.memory_space<vmem>>, vector<1x16xf32>,
        %parallel_loop3A_241 = vector.shape_cast %parallel_loop3A_240 : vector<1x16xf32> to vector<16xf32>
        %parallel_loop3A_242 = vector.shape_cast %parallel_loop3A_237 : vector<16xf32> to vector<1x16xf32>
        tpu.vector_store %arg15[%parallel_loop3A_238, %parallel_loop3A_239], %parallel_loop3A_242 {strides = array<i32>} : memref<64x64xf32, #tpu.memory_space<vmem>>, vector<1x16xf32>,
        %parallel_loop3A_243 = arith.index_cast %parallel_loop3A_218 : i32 to index
        %parallel_loop3A_244 = arith.constant 32 : index
        %parallel_loop3A_245 = tpu.vector_load %arg10[%parallel_loop3A_243, %parallel_loop3A_244] {strides = array<i32>} : memref<64x128xf32, #tpu.memory_space<vmem>>, vector<1x16xf32>,
        %parallel_loop3A_246 = vector.shape_cast %parallel_loop3A_245 : vector<1x16xf32> to vector<16xf32>
        %parallel_loop3A_247 = arith.constant 8.000000e+00 : f32
        %parallel_loop3A_248 = vector.broadcast %parallel_loop3A_247 : f32 to vector<16xf32>
        %parallel_loop3A_249 = arith.mulf %parallel_loop3A_246, %parallel_loop3A_248 : vector<16xf32>
        %parallel_loop3A_250 = arith.index_cast %parallel_loop3A_218 : i32 to index
        %parallel_loop3A_251 = arith.constant 32 : index
        %parallel_loop3A_252 = tpu.vector_load %arg15[%parallel_loop3A_250, %parallel_loop3A_251] {strides = array<i32>} : memref<64x64xf32, #tpu.memory_space<vmem>>, vector<1x16xf32>,
        %parallel_loop3A_253 = vector.shape_cast %parallel_loop3A_252 : vector<1x16xf32> to vector<16xf32>
        %parallel_loop3A_254 = vector.shape_cast %parallel_loop3A_249 : vector<16xf32> to vector<1x16xf32>
        tpu.vector_store %arg15[%parallel_loop3A_250, %parallel_loop3A_251], %parallel_loop3A_254 {strides = array<i32>} : memref<64x64xf32, #tpu.memory_space<vmem>>, vector<1x16xf32>,
        %parallel_loop3A_255 = arith.index_cast %parallel_loop3A_218 : i32 to index
        %parallel_loop3A_256 = arith.constant 48 : index
        %parallel_loop3A_257 = tpu.vector_load %arg10[%parallel_loop3A_255, %parallel_loop3A_256] {strides = array<i32>} : memref<64x128xf32, #tpu.memory_space<vmem>>, vector<1x16xf32>,
        %parallel_loop3A_258 = vector.shape_cast %parallel_loop3A_257 : vector<1x16xf32> to vector<16xf32>
        %parallel_loop3A_259 = arith.constant 8.000000e+00 : f32
        %parallel_loop3A_260 = vector.broadcast %parallel_loop3A_259 : f32 to vector<16xf32>
        %parallel_loop3A_261 = arith.mulf %parallel_loop3A_258, %parallel_loop3A_260 : vector<16xf32>
        %parallel_loop3A_262 = arith.index_cast %parallel_loop3A_218 : i32 to index
        %parallel_loop3A_263 = arith.constant 48 : index
        %parallel_loop3A_264 = tpu.vector_load %arg15[%parallel_loop3A_262, %parallel_loop3A_263] {strides = array<i32>} : memref<64x64xf32, #tpu.memory_space<vmem>>, vector<1x16xf32>,
        %parallel_loop3A_265 = vector.shape_cast %parallel_loop3A_264 : vector<1x16xf32> to vector<16xf32>
        %parallel_loop3A_266 = vector.shape_cast %parallel_loop3A_261 : vector<16xf32> to vector<1x16xf32>
        tpu.vector_store %arg15[%parallel_loop3A_262, %parallel_loop3A_263], %parallel_loop3A_266 {strides = array<i32>} : memref<64x64xf32, #tpu.memory_space<vmem>>, vector<1x16xf32>,
      } {sc.loop_unroll_factor = 8 : i64, sc.parallel_access}
    }
    %scan3A_26 = arith.constant 80 : i32
    %add3A_27 = arith.constant 25536 : i32
    %add3A_28 = arith.addi %mul3A_2, %add3A_27 : i32
    %dma_start3A_29 = arith.constant 0 : i32
    %dma_start3A_30 = tpu.memref_slice %arg4[%add3A_28, %dma_start3A_29] : memref<819200x64xf32, #tpu.memory_space<hbm>> -> memref<64x64xf32, #tpu.memory_space<hbm>>
    %dma_start3A_31 = arith.constant 0 : i32
    %dma_start3A_32 = tpu.memref_slice %arg4[%add3A_28, %dma_start3A_31] : memref<819200x64xf32, #tpu.memory_space<hbm>> -> memref<64x64xf32, #tpu.memory_space<hbm>>
    tpu.enqueue_dma source(%arg15 : memref<64x64xf32, #tpu.memory_space<vmem>>) target(%dma_start3A_32 : memref<64x64xf32, #tpu.memory_space<hbm>>) target_semaphore(%arg25 : memref<!tpu.dma_semaphore, #tpu.memory_space<semaphore_mem>>)
    %add3A_33 = arith.constant 25280 : i32
    %add3A_34 = arith.addi %mul3A_2, %add3A_33 : i32
    %dma_wait3A = arith.constant 0 : i32
    %dma_wait3A_35 = tpu.memref_slice %arg4[%add3A_34, %dma_wait3A] : memref<819200x64xf32, #tpu.memory_space<hbm>> -> memref<64x64xf32, #tpu.memory_space<hbm>>
    %dma_wait3A_36 = arith.constant 0 : i32
    %dma_wait3A_37 = tpu.memref_slice %arg4[%add3A_34, %dma_wait3A_36] : memref<819200x64xf32, #tpu.memory_space<hbm>> -> memref<64x64xf32, #tpu.memory_space<hbm>>
    tpu.wait_dma2 semaphore(%arg21 : memref<!tpu.dma_semaphore, #tpu.memory_space<semaphore_mem>>) src(%arg11 : memref<64x64xf32, #tpu.memory_space<vmem>>) dst(%dma_wait3A_37 : memref<64x64xf32, #tpu.memory_space<hbm>>)
    %add3A_38 = arith.constant 25344 : i32
    %add3A_39 = arith.addi %mul3A_2, %add3A_38 : i32
    %dma_wait3A_40 = arith.constant 0 : i32
    %dma_wait3A_41 = tpu.memref_slice %arg4[%add3A_39, %dma_wait3A_40] : memref<819200x64xf32, #tpu.memory_space<hbm>> -> memref<64x64xf32, #tpu.memory_space<hbm>>
    %dma_wait3A_42 = arith.constant 0 : i32
    %dma_wait3A_43 = tpu.memref_slice %arg4[%add3A_39, %dma_wait3A_42] : memref<819200x64xf32, #tpu.memory_space<hbm>> -> memref<64x64xf32, #tpu.memory_space<hbm>>
    tpu.wait_dma2 semaphore(%arg22 : memref<!tpu.dma_semaphore, #tpu.memory_space<semaphore_mem>>) src(%arg12 : memref<64x64xf32, #tpu.memory_space<vmem>>) dst(%dma_wait3A_43 : memref<64x64xf32, #tpu.memory_space<hbm>>)
    %add3A_44 = arith.constant 25408 : i32
    %add3A_45 = arith.addi %mul3A_2, %add3A_44 : i32
    %dma_wait3A_46 = arith.constant 0 : i32
    %dma_wait3A_47 = tpu.memref_slice %arg4[%add3A_45, %dma_wait3A_46] : memref<819200x64xf32, #tpu.memory_space<hbm>> -> memref<64x64xf32, #tpu.memory_space<hbm>>
    %dma_wait3A_48 = arith.constant 0 : i32
    %dma_wait3A_49 = tpu.memref_slice %arg4[%add3A_45, %dma_wait3A_48] : memref<819200x64xf32, #tpu.memory_space<hbm>> -> memref<64x64xf32, #tpu.memory_space<hbm>>
    tpu.wait_dma2 semaphore(%arg23 : memref<!tpu.dma_semaphore, #tpu.memory_space<semaphore_mem>>) src(%arg13 : memref<64x64xf32, #tpu.memory_space<vmem>>) dst(%dma_wait3A_49 : memref<64x64xf32, #tpu.memory_space<hbm>>)
    %add3A_50 = arith.constant 25472 : i32
    %add3A_51 = arith.addi %mul3A_2, %add3A_50 : i32
    %dma_wait3A_52 = arith.constant 0 : i32
    %dma_wait3A_53 = tpu.memref_slice %arg4[%add3A_51, %dma_wait3A_52] : memref<819200x64xf32, #tpu.memory_space<hbm>> -> memref<64x64xf32, #tpu.memory_space<hbm>>
    %dma_wait3A_54 = arith.constant 0 : i32
    %dma_wait3A_55 = tpu.memref_slice %arg4[%add3A_51, %dma_wait3A_54] : memref<819200x64xf32, #tpu.memory_space<hbm>> -> memref<64x64xf32, #tpu.memory_space<hbm>>
    tpu.wait_dma2 semaphore(%arg24 : memref<!tpu.dma_semaphore, #tpu.memory_space<semaphore_mem>>) src(%arg14 : memref<64x64xf32, #tpu.memory_space<vmem>>) dst(%dma_wait3A_55 : memref<64x64xf32, #tpu.memory_space<hbm>>)
    %add3A_56 = arith.constant 25536 : i32
    %add3A_57 = arith.addi %mul3A_2, %add3A_56 : i32
    %dma_wait3A_58 = arith.constant 0 : i32
    %dma_wait3A_59 = tpu.memref_slice %arg4[%add3A_57, %dma_wait3A_58] : memref<819200x64xf32, #tpu.memory_space<hbm>> -> memref<64x64xf32, #tpu.memory_space<hbm>>
    %dma_wait3A_60 = arith.constant 0 : i32
    %dma_wait3A_61 = tpu.memref_slice %arg4[%add3A_57, %dma_wait3A_60] : memref<819200x64xf32, #tpu.memory_space<hbm>> -> memref<64x64xf32, #tpu.memory_space<hbm>>
    tpu.wait_dma2 semaphore(%arg25 : memref<!tpu.dma_semaphore, #tpu.memory_space<semaphore_mem>>) src(%arg15 : memref<64x64xf32, #tpu.memory_space<vmem>>) dst(%dma_wait3A_61 : memref<64x64xf32, #tpu.memory_space<hbm>>)
    return
  }
}

</mosaic_0001>

<sc_bundles>
// kernel: kernel.3.cloned.1.call-start
scs
__scs_entry_jumppad:
0x0: {  	(pc) =	sbr.rel $0x88, $3  }
0x1: {  	(tag) =	ssettag $0x0;
	lr =	simm.s32 $0x1  }
0x2: {  	[smem:$0x3F9F] =	sst lr;
	_ =	strace $0xD0000000  }
0x3: {  	_ = 	snop  }
0x4: {  	_ = 	snop  }
0x5: {  	_ = 	snop  }
0x6: {  	_ = 	snop  }
0x7: {  	_ = 	snop  }
__scs_overlays_trampoline_lowered:
0x8: {  	[smem:$0x3FAE] =	sst s0  }
0x9: {  	[smem:$0x3FAF] =	sst s1  }
0xa: {  	[smem:$0x3FB0] =	sst s2  }
0xb: {  	[smem:$0x3FB1] =	sst s3  }
0xc: {  	[smem:$0x3FB2] =	sst s4  }
0xd: {  	[smem:$0x3FB3] =	sst s5  }
0xe: {  	[smem:$0x3FB4] =	sst s6  }
0xf: {  	[smem:$0x3FB5] =	sst s7  }
0x10: {  	[smem:$0x3FB6] =	sst s8  }
0x11: {  	[smem:$0x3FB7] =	sst s9;
	s0 =	simm.s32 @!p0 $0x0  }
0x12: {  	s1 =	sld [smem:$0x3F9D];
	s0 =	simm.s32 @p0 $0x1  }
0x13: {  	[smem:$0x3FB8] =	sst s0;
	s0 =	simm.s32 @!p1 $0x0  }
0x14: {  	s2 =	sld [smem:$0x3F9C];
	s0 =	simm.s32 @p1 $0x1  }
0x15: {  	[smem:$0x3FB9] =	sst s0;
	s0 =	simm.s32 @!p2 $0x0  }
0x16: {  	s3 =	sld [smem:$0x3FDB];
	s0 =	simm.s32 @p2 $0x1  }
0x17: {  	s4 =	simm.s32 $0x1BF5;
	[smem:$0x3FBB] =	sst s0  }
0x18: {  	s0 =	sld [smem:$0x3F9E];
	_ =	swait.ge [sflag:s4], $0x0  }
0x19: {  	s7 =	sld [smem:$0x3F9F]  }
0x1a: {  	s8 =	sadd.s32 $0xFFFFE003, lr  }
0x1b: {  	s9 =	sadd.s32 $0xFFFFFEF7, lr;
	s5 =	simm.s32 $0xFFFFFFFF;
	p2 =	slt.u32 s8, $0xFFFFF086  }
0x1c: {  	p1 =	slt.u32 s9, $0xF7A;
	s5 =	simm.s32 @!p2 $0x0  }
0x1d: {  	s5 =	simm.s32 @p1 $0x1;
	p0 =	seq.s32 s7, s2  }
0x1e: {  	s7 =	smul.u32 @!p0 $0xF7A, s2;
	p2 =	seq.s32 @!p0 s5, $0x0  }
0x1f: {  	s9 =	smul.u32 $0xF7A, s1;
	s8 =	simm.s32 @!p0 $0x1BF5;
	p2 =	por !p2, p0  }
0x20: {  	[sflag:s8] =	ssyncset.s32 @!p0 $0xFFFFF086;
	s6 =	sadd.s32 @!p0 s3, s7;
	s7 =	simm.s32 @!p0 $0x108  }
0x21: {  	s3 =	sadd.s32 s3, s9;
	s6 =	sadd.s32 @!p0 $0x88, s6;
	s7 =	simm.s32 @p2 $0x1082  }
0x22: {  	[simem:s7], [sflag:s8] =	dma.local @!p0 [hbm:s6], $0xF7A  }
0x23: {  	s9 =	sor.u32 $0xD0000000, s2;
	s6 =	simm.s32 $0x108;
	_ =	swait.ge @!p0 [sflag:s8], $0x0  }
0x24: {  	s3 =	sadd.s32 $0x88, s3;
	s6 =	simm.s32 @!p1 $0x1082;
	[sflag:s4] =	ssyncset.s32 $0xFFFFF086  }
0x25: {  	[simem:s6], [sflag:s4] =	dma.local [hbm:s3], $0xF7A  }
0x26: {  	[smem:$0x3F9F] =	sst s1;
	(tag) =	ssettag s2;
	_ =	strace s9  }
0x27: {  	s1 =	sld [smem:$0x3FAF]  }
0x28: {  	s2 =	sld [smem:$0x3FB0]  }
0x29: {  	s4 =	sld [smem:$0x3FB2]  }
0x2a: {  	p0 =	seq.s32 s5, $0x0;
	s5 =	sld [smem:$0x3FB3]  }
0x2b: {  	s6 =	sld [smem:$0x3FB4]  }
0x2c: {  	s7 =	sld [smem:$0x3FB5]  }
0x2d: {  	s3 =	simm.s32 $0x108;
	s8 =	sld [smem:$0x3FB6]  }
0x2e: {  	s3 =	simm.s32 @!p0 $0x1082;
	s9 =	sld [smem:$0x3FB7]  }
0x2f: {  	lr =	sadd.s32 s0, s3;
	s0 =	sld [smem:$0x3FAE]  }
0x30: {  	s3 =	sld [smem:$0x3FB1]  }
0x31: {  	[smem:$0x3FBA] =	sst s10  }
0x32: {  	s10 =	sld [smem:$0x3FB8];
	_ =	sdelay $0x3  }
0x33: {  	p0 =	seq.s32 s10, $0x1;
	s10 =	sld [smem:$0x3FBA];
	_ =	sdelay $0x3  }
0x34: {  	[smem:$0x3FBA] =	sst s10  }
0x35: {  	s10 =	sld [smem:$0x3FB9];
	_ =	sdelay $0x3  }
0x36: {  	p1 =	seq.s32 s10, $0x1;
	s10 =	sld [smem:$0x3FBA];
	_ =	sdelay $0x3  }
0x37: {  	[smem:$0x3FBA] =	sst s10  }
0x38: {  	s10 =	sld [smem:$0x3FBB]  }
0x39: {  	_ = 	snop;
	(pc) =	sbr.ind lr, $3  }
0x3a: {  	_ = 	snop  }
0x3b: {  	_ = 	snop  }
0x3c: {  	p2 =	seq.s32 s10, $0x1;
	s10 =	sld [smem:$0x3FBA]  }
0x3d: {  	_ =	shalt  }
0x3e: {  	_ =	shalt  }
0x3f: {  	_ =	shalt  }
0x40: {  	_ =	shalt  }
0x41: {  	_ =	shalt  }
0x42: {  	_ =	shalt  }
0x43: {  	_ =	shalt  }
0x44: {  	_ =	shalt  }
0x45: {  	_ =	shalt  }
0x46: {  	_ =	shalt  }
0x47: {  	_ =	shalt  }
0x48: {  	_ =	shalt  }
0x49: {  	_ =	shalt  }
0x4a: {  	_ =	shalt  }
0x4b: {  	_ =	shalt  }
0x4c: {  	_ =	shalt  }
0x4d: {  	_ =	shalt  }
0x4e: {  	_ =	shalt  }
0x4f: {  	_ =	shalt  }
0x50: {  	_ =	shalt  }
0x51: {  	_ =	shalt  }
0x52: {  	_ =	shalt  }
0x53: {  	_ =	shalt  }
0x54: {  	_ =	shalt  }
0x55: {  	_ =	shalt  }
0x56: {  	_ =	shalt  }
0x57: {  	_ =	shalt  }
0x58: {  	_ =	shalt  }
0x59: {  	_ =	shalt  }
0x5a: {  	_ =	shalt  }
0x5b: {  	_ =	shalt  }
0x5c: {  	_ =	shalt  }
0x5d: {  	_ =	shalt  }
0x5e: {  	_ =	shalt  }
0x5f: {  	_ =	shalt  }
0x60: {  	_ =	shalt  }
0x61: {  	_ =	shalt  }
0x62: {  	_ =	shalt  }
0x63: {  	_ =	shalt  }
0x64: {  	_ =	shalt  }
0x65: {  	_ =	shalt  }
0x66: {  	_ =	shalt  }
0x67: {  	_ =	shalt  }
0x68: {  	_ =	shalt  }
0x69: {  	_ =	shalt  }
0x6a: {  	_ =	shalt  }
0x6b: {  	_ =	shalt  }
0x6c: {  	_ =	shalt  }
0x6d: {  	_ =	shalt  }
0x6e: {  	_ =	shalt  }
0x6f: {  	_ =	shalt  }
0x70: {  	_ =	shalt  }
0x71: {  	_ =	shalt  }
0x72: {  	_ =	shalt  }
0x73: {  	_ =	shalt  }
0x74: {  	_ =	shalt  }
0x75: {  	_ =	shalt  }
0x76: {  	_ =	shalt  }
0x77: {  	_ =	shalt  }
0x78: {  	_ =	shalt  }
0x79: {  	_ =	shalt  }
0x7a: {  	_ =	shalt  }
0x7b: {  	_ =	shalt  }
0x7c: {  	_ =	shalt  }
0x7d: {  	_ =	shalt  }
0x7e: {  	_ =	shalt  }
0x7f: {  	_ =	shalt  }
0x80: {  	_ =	shalt  }
0x81: {  	_ =	shalt  }
0x82: {  	_ =	shalt  }
0x83: {  	_ =	shalt  }
0x84: {  	_ =	shalt  }
0x85: {  	_ =	shalt  }
0x86: {  	_ =	shalt  }
0x87: {  	_ =	shalt  }
.Lfunc_end0:
.L_simem_size_0:
called_computation.1_lowered:
.L_overlay_start_0:
0x88: {  	s2 =	sld [smem:$0x3FD9]  }
0x89: {  	s3 =	sld [smem:$0x3FFE];
	_ =	sdelay $0x1  }
0x8a: {  	s1 =	srdreg.scid  }
0x8b: {  	s0 =	sand.u32 $0x1, s1  }
0x8c: {  	s17 =	sshll.u32 s0, $0xA;
	s2 =	sadd.s32 s3, s2  }
0x8d: {  	s2 =	sadd.s32 s2, s17  }
0x8e: {  	[smem:$0x3FC6] =	sst s2  }
0x8f: {  	_ = 	snop  }
0x90: {  	s2 =	sld [smem:$0x3FD0];
	(tm) =	ssettm $0x1  }
0x91: {  	s18 =	sld [smem:$0x3FFB];
	_ =	sdelay $0x3  }
0x92: {  	_ =	strace s18  }
0x93: {  	s3 =	sld [smem:$0x3FFC];
	_ =	sdelay $0x3  }
0x94: {  	_ =	strace s3  }
0x95: {  	s3 =	sld [smem:$0x3FFD];
	_ =	sdelay $0x3  }
0x96: {  	_ =	strace s3  }
0x97: {  	_ =	strace $0x8FFFFFFF  }
0x98: {  	s19 =	sld [smem:$0x3FDB];
	_ =	sdelay $0x1  }
0x99: {  	s4 =	simm.s32 $_scs_section_size  }
0x9a: {  	s5 =	simm.s32 $_size__tile_overlayer_lowered;
	s6 =	simm.s32 $_tile_overlayer_lowered  }
0x9b: {  	s22 =	simm.s32 $0x1BFF;
	s21 =	sshll.u32 s6, $0x1;
	s3 =	sadd.s32 s4, s19  }
0x9c: {  	s7 =	simm.s32 $0x0;
	s20 =	sshll.u32 s5, $0x1;
	s5 =	sadd.s32 s21, s3  }
0x9d: {  	[timem:s7], [sflag:s22] =	dma.local [hbm:s5], s20  }
0x9e: {  	_ =	swait.ge [sflag:s22], s20  }
0x9f: {  	s4 =	ssub.s32 $0x0, s20;
	[sflag:s22] =	ssyncset.done $0x0  }
0xa0: {  	[sflag:s22] =	ssyncadd.s32 s4;
	_ =	sdelay $0x1  }
0xa1: {  	s23 =	simm.s32 $0x1B8B  }
0xa2: {  	_ =	swait.ge [sflag:s23], $0x1  }
0xa3: {  	[sflag:s23] =	ssyncset.done $0x0  }
0xa4: {  	s25 =	simm.s32 $0x1B8E;
	s24 =	sld [smem:$0x3FFE];
	[sflag:s23] =	ssyncadd.s32 $0xFFFFFFFF  }
0xa5: {  	s26 =	simm.s32 $execute0_lowered;
	[smem:$0x3FD2] =	sst s25  }
0xa6: {  	s5 =	sshll.u32 s26, $0x1;
	_ =	strace $0x80000046;
	[dreg:$0x1] =	wrdreg $0xFFFFFFFF  }
0xa7: {  	s28 =	simm.s32 $_size_execute0_lowered;
	s3 =	sadd.s32 s3, s5;
	[dreg:$0x0] =	wrdreg $0x0  }
0xa8: {  	s5 =	sshll.u32 s28, $0x1;
	[dreg:$0x2] =	wrdreg s3  }
0xa9: {  	[dreg:$0x3] =	wrdreg s5  }
0xaa: {  	[dreg:$0x4] =	wrdreg $0xC0  }
0xab: {  	_ =	task [dreg:s7], $0x5FFFF  }
0xac: {  	[dreg:$0x1] =	wrdreg $0xFFFFFFFF  }
0xad: {  	[dreg:$0x0] =	wrdreg $0x60  }
0xae: {  	[dreg:$0x2] =	wrdreg s2  }
0xaf: {  	[dreg:$0x3] =	wrdreg s24  }
0xb0: {  	[dreg:$0x4] =	wrdreg $0x9  }
0xb1: {  	_ =	task.clear_ibuf [dreg:s7], $0x5FFFF;
	_ =	strace $0x90000046  }
0xb2: {  	s29 =	simm.s32 $0x9;
	_ =	strace $0x80000048  }
0xb3: {  	_ =	swait.ge [sflag:s29], $0x1  }
0xb4: {  	[sflag:s29] =	ssyncadd.s32 $0xFFFFFFFF  }
0xb5: {  	_ =	strace $0x90000048  }
0xb6: {  	_ =	sfence  }
0xb7: {  	s30 =	sld [smem:$0x0];
	_ =	sdelay $0x2  }
0xb8: {  	s31 =	sshll.u32 s1, $0xD;
	s1 =	sshrl.u32 s1, $0x2  }
0xb9: {  	s3 =	sand.u32 $0x4000, s31;
	s1 =	sadd.s32 s1, s30  }
0xba: {  	s0 =	sor.u32 s3, s0;
	s1 =	sshll.u32 s1, $0x11  }
0xbb: {  	s0 =	sor.u32 s1, s0  }
0xbc: {  	s0 =	sadd.s32 $0x8F2B, s0  }
0xbd: {  	[sflag:s0] =	ssyncadd.remote.s32 $0x1  }
0xbe: {  	_ =	sfence.sel $0xFFFF  }
0xbf: {  	[dreg:$0x0] =	wrdreg $0xFFFFFFFF;
	(pc) =	sbr.abs _section_cstart, $3  }
0xc0: {  	[dreg:$0x1] =	wrdreg $0xFFFFFFFF  }
0xc1: {  	_ =	task.clear_ibuf [dreg:s7], $0x2FFFF;
	_ =	strace $0x9FFFFFFF  }
0xc2: {  	(tm) =	ssettm $0x7FFFFFFF  }
0xc3: {  	_ =	shalt  }
tec
execute0_lowered:
.L_overlay_start_1:
0x0: {  	(tag) =	ssettag $0x1  }
0x1: {  	s0 =	rddreg [dreg:$0x0]  }
0x2: {  	s1 =	rddreg [dreg:$0x1]  }
0x3: {  	s3 =	srdreg.scid;
	s4 =	stileid.u32;
	s2 =	simm.s32 $0x0  }
0x4: {  	s13 =	simm.s32 $0xB;
	s14 =	simm.s32 $0x40;
	s21 =	simm.s32 $0xE400  }
0x5: {  	s22 =	simm.s32 $0x10400;
	s23 =	simm.s32 $0x2;
	s28 =	simm.s32 $0x4  }
0x6: {  	s29 =	simm.s32 $0x16400;
	s30 =	simm.s32 $0x5;
	s15 =	simm.s32 $0x8  }
0x7: {  	s16 =	simm.s32 $0x9;
	s17 =	simm.s32 $0xA;
	s18 =	simm.s32 $0x0  }
0x8: {  	s3 =	sand.u32 $0x1, s3;
	s4 =	sshll.u32 s4, $0x1;
	[smem:$0x7FF] =	sst s2  }
0x9: {  	s5 =	sor.u32 s3, s4;
	_ =	strace $0x80000047;
	s6 =	ssub.s32 $0x2, s3  }
0xa: {  	s4 =	sadd.s32 $0x800, s1;
	s3 =	smul.u32 $0x6400, s5;
	s7 =	sshrl.u32 s6, $0x1  }
0xb: {  	s8 =	smul.u32 $0x320000, s5;
	s5 =	sadd.s32 $0xF42C00, s1;
	s1 =	simm.s32 $0x7  }
0xc: {  	s24 =	ssub.s32 s6, s7;
	s25 =	sshrl.u32 s3, $0x3;
	s7 =	sadd.s32 $0xFFFFFFC0, s3  }
0xd: {  	s26 =	sshrl.u32 s8, $0x3;
	s8 =	sor.u32 $0x40, s3;
	s9 =	sor.u32 $0x80, s3  }
0xe: {  	s10 =	sor.u32 $0xC0, s3;
	s31 =	smax.u32 s24, $0x1;
	s0 =	sadd.s32 s0, s25  }
0xf: {  	s24 =	simm.s32 $0x12400;
	[dreg:$0x3] =	wrdreg s0;
	s0 =	sadd.s32 s5, s26  }
0x10: {  	[dreg:$0x5] =	wrdreg s31;
	s25 =	simm.s32 $0x3;
	s0 =	sadd.s32 $0x63C00, s0  }
0x11: {  	s26 =	simm.s32 $0x14400;
	[dreg:$0x4] =	wrdreg s0;
	s0 =	simm.s32 $0x6  }
.LBB2_1:
0x12: {  	s6 =	rddreg [dreg:$0x3]  }
0x13: {  	[tilespmem:s2], [sflag:$0xB] =	stream.linear.gather [hbm4b:s6+s2], $0x6400, $0x38;
	[tilespmem:$0x1A400] =	vst v63  }
0x14: {  	_ =	swait.ge [sflag:s13], $0x6400  }
0x15: {  	[sflag:s13] =	ssyncset.done $0x0  }
0x16: {  	s11 =	simm.s32 $0x6400;
	[sflag:s13] =	ssyncadd.s32 $0xFFFF9C00  }
0x17: {  	[tilespmem:s11], [sflag:$0x1] =	stream.indirect.gather [hbm4b:s4+s14], $0x80, s2, s14, $0xb8;
	[tilespmem:$0x1A400] =	vst v63  }
0x18: {  	s12 =	simm.s32 $0x8400  }
0x19: {  	[tilespmem:s12], [sflag:$0x2] =	stream.indirect.gather [hbm4b:s4+s14], $0x80, s14, s14, $0xb8;
	[tilespmem:$0x1A400] =	vst v63  }
0x1a: {  	s19 =	simm.s32 $0x80;
	s11 =	simm.s32 $0xA400  }
0x1b: {  	[tilespmem:s11], [sflag:$0x3] =	stream.indirect.gather [hbm4b:s4+s14], $0x80, s19, s14, $0xb8;
	[tilespmem:$0x1A400] =	vst v63  }
0x1c: {  	s20 =	simm.s32 $0xC0;
	s31 =	simm.s32 $0xC400;
	s19 =	simm.s32 $0x0  }
0x1d: {  	[tilespmem:s31], [sflag:$0x4] =	stream.indirect.gather [hbm4b:s4+s14], $0x80, s20, s14, $0xb8;
	[tilespmem:$0x1A400] =	vst v63  }
.LBB2_2:
0x1e: {  	s6 =	smul.u32 $0x500, s19;
	_ =	sdelay $0x1  }
0x1f: {  	p0 =	seq.s32 s19, $0x0;
	s20 =	sshra.s32 s6, $0x2  }
0x20: {  	s11 =	smul.u32 @!p0 $0x140, s19;
	s6 =	sadd.s32 $0x100, s20  }
0x21: {  	[tilespmem:s21], [sflag:$0x5] =	stream.indirect.gather [hbm4b:s4+s14], $0x80, s6, s14, $0xb8;
	[tilespmem:$0x1A400] =	vst v63  }
0x22: {  	s6 =	sadd.s32 @!p0 s11, s7  }
0x23: {  	s6 =	sshll.u32 @!p0 s6, $0x4  }
0x24: {  	s12 =	simm.s32 @!p0 $0x18400;
	s11 =	simm.s32 @!p0 $0x0;
	s6 =	sadd.s32 @!p0 s5, s6  }
0x25: {  	[hbm4b:s6+s11] =	stream.linear.scatter @!p0 [tilespmem:s12], [sflag:$0xA], $0x2000, $0x38;
	[tilespmem:$0x1A400] =	vst v63  }
0x26: {  	s6 =	simm.s32 @!p0 $0x1  }
0x27: {  	_ =	swait.ge @!p0 [sflag:s6], $0x2000  }
0x28: {  	s11 =	simm.s32 @!p0 $0x6;
	[sflag:s6] =	ssyncset.done @!p0 $0x0  }
0x29: {  	s11 =	simm.s32 @p0 $0x1;
	[sflag:s6] =	ssyncadd.s32 @!p0 $0xFFFFE000  }
0x2a: {  	_ =	swait.ge [sflag:s11], $0x2000  }
0x2b: {  	[sflag:s11] =	ssyncset.done $0x0  }
0x2c: {  	s12 =	simm.s32 $0x6600;
	[sflag:s11] =	ssyncadd.s32 $0xFFFFE000  }
0x2d: {  	v0 =	vld [tilespmem:s12+$0x180]  }
0x2e: {  	v1 =	vld [tilespmem:s12+$0xFFFFFE80]  }
0x2f: {  	v2 =	vld [tilespmem:s12+$0xFFFFFF00]  }
0x30: {  	v3 =	vld [tilespmem:s12+$0xFFFFFF80]  }
0x31: {  	v4 =	vld [tilespmem:s12+$0x0]  }
0x32: {  	v5 =	vld [tilespmem:s12+$0x80];
	v0 =	vmul.f32 $8.000000000e+00, v0  }
0x33: {  	s31 =	simm.s32 $0x10600;
	v6 =	vld [tilespmem:s12+$0x100];
	v1 =	vmul.f32 $8.000000000e+00, v1  }
0x34: {  	v7 =	vld [tilespmem:s12+$0xFFFFFE00];
	v2 =	vmul.f32 $8.000000000e+00, v2;
	[tilespmem:s31+$0x180] =	vst v0  }
0x35: {  	[tilespmem:s31+$0xFFFFFE80] =	vst v1;
	v0 =	vmul.f32 $8.000000000e+00, v3;
	v1 =	vld [tilespmem:s12+$0x190]  }
0x36: {  	[tilespmem:s31+$0xFFFFFF00] =	vst v2;
	v2 =	vmul.f32 $8.000000000e+00, v4;
	v3 =	vld [tilespmem:s12+$0xFFFFFE90]  }
0x37: {  	v4 =	vld [tilespmem:s12+$0xFFFFFF10];
	[tilespmem:s31+$0xFFFFFF80] =	vst v0;
	v0 =	vmul.f32 $8.000000000e+00, v5  }
0x38: {  	[tilespmem:s31+$0x0] =	vst v2;
	v2 =	vmul.f32 $8.000000000e+00, v6;
	v5 =	vld [tilespmem:s12+$0xFFFFFF90]  }
0x39: {  	v6 =	vmul.f32 $8.000000000e+00, v7;
	v7 =	vld [tilespmem:s12+$0x10];
	[tilespmem:s31+$0x80] =	vst v0  }
0x3a: {  	[tilespmem:s31+$0x100] =	vst v2;
	v0 =	vld [tilespmem:s12+$0x90];
	v1 =	vmul.f32 $8.000000000e+00, v1  }
0x3b: {  	[tilespmem:s31+$0xFFFFFE00] =	vst v6;
	v2 =	vmul.f32 $8.000000000e+00, v3;
	v3 =	vld [tilespmem:s12+$0x110]  }
0x3c: {  	v6 =	vld [tilespmem:s12+$0xFFFFFE10];
	v4 =	vmul.f32 $8.000000000e+00, v4;
	[tilespmem:s31+$0x190] =	vst v1  }
0x3d: {  	[tilespmem:s31+$0xFFFFFE90] =	vst v2;
	v1 =	vmul.f32 $8.000000000e+00, v5;
	v2 =	vld [tilespmem:s12+$0x1A0]  }
0x3e: {  	[tilespmem:s31+$0xFFFFFF10] =	vst v4;
	v4 =	vmul.f32 $8.000000000e+00, v7;
	v5 =	vld [tilespmem:s12+$0xFFFFFEA0]  }
0x3f: {  	v7 =	vld [tilespmem:s12+$0xFFFFFF20];
	[tilespmem:s31+$0xFFFFFF90] =	vst v1;
	v0 =	vmul.f32 $8.000000000e+00, v0  }
0x40: {  	[tilespmem:s31+$0x10] =	vst v4;
	v1 =	vld [tilespmem:s12+$0xFFFFFFA0];
	v3 =	vmul.f32 $8.000000000e+00, v3  }
0x41: {  	v4 =	vmul.f32 $8.000000000e+00, v6;
	v6 =	vld [tilespmem:s12+$0x20];
	[tilespmem:s31+$0x90] =	vst v0  }
0x42: {  	v0 =	vld [tilespmem:s12+$0xA0];
	[tilespmem:s31+$0x110] =	vst v3;
	v2 =	vmul.f32 $8.000000000e+00, v2  }
0x43: {  	[tilespmem:s31+$0xFFFFFE10] =	vst v4;
	v3 =	vmul.f32 $8.000000000e+00, v5;
	v4 =	vld [tilespmem:s12+$0x120]  }
0x44: {  	v5 =	vld [tilespmem:s12+$0xFFFFFE20];
	v7 =	vmul.f32 $8.000000000e+00, v7;
	[tilespmem:s31+$0x1A0] =	vst v2  }
0x45: {  	[tilespmem:s31+$0xFFFFFEA0] =	vst v3;
	v1 =	vmul.f32 $8.000000000e+00, v1;
	v3 =	vld [tilespmem:s12+$0x1B0]  }
0x46: {  	[tilespmem:s31+$0xFFFFFF20] =	vst v7;
	v2 =	vmul.f32 $8.000000000e+00, v6;
	v8 =	vld [tilespmem:s12+$0xFFFFFEB0]  }
0x47: {  	v7 =	vld [tilespmem:s12+$0xFFFFFF30];
	[tilespmem:s31+$0xFFFFFFA0] =	vst v1;
	v1 =	vmul.f32 $8.000000000e+00, v0  }
0x48: {  	[tilespmem:s31+$0x20] =	vst v2;
	v0 =	vld [tilespmem:s12+$0xFFFFFFB0];
	v4 =	vmul.f32 $8.000000000e+00, v4  }
0x49: {  	v5 =	vmul.f32 $8.000000000e+00, v5;
	v2 =	vld [tilespmem:s12+$0x30];
	[tilespmem:s31+$0xA0] =	vst v1  }
0x4a: {  	v1 =	vld [tilespmem:s12+$0xB0];
	[tilespmem:s31+$0x120] =	vst v4;
	v9 =	vmul.f32 $8.000000000e+00, v3  }
0x4b: {  	[tilespmem:s31+$0xFFFFFE20] =	vst v5;
	v3 =	vld [tilespmem:s12+$0x130];
	v6 =	vmul.f32 $8.000000000e+00, v8  }
0x4c: {  	s6 =	simm.s32 $0x0;
	s11 =	simm.s32 $0x6A00;
	v4 =	vld [tilespmem:s12+$0xFFFFFE30];
	v5 =	vmul.f32 $8.000000000e+00, v7;
	[tilespmem:s31+$0x1B0] =	vst v9  }
.LBB2_3:
0x4d: {  	v7 =	vld [tilespmem:s11+$0x180];
	s6 =	sadd.s32 $0x8, s6;
	[tilespmem:s31+$0xFFFFFEB0] =	vst v6;
	v0 =	vmul.f32 $8.000000000e+00, v0  }
0x4e: {  	v6 =	vld [tilespmem:s11+$0xFFFFFE80];
	p1 =	slt.u32 s6, $0x38;
	[tilespmem:s31+$0xFFFFFF30] =	vst v5;
	v2 =	vmul.f32 $8.000000000e+00, v2  }
0x4f: {  	v5 =	vld [tilespmem:s11+$0xFFFFFF00];
	[tilespmem:s31+$0xFFFFFFB0] =	vst v0;
	v0 =	vmul.f32 $8.000000000e+00, v1  }
0x50: {  	v1 =	vld [tilespmem:s11+$0xFFFFFF80];
	[tilespmem:s31+$0x30] =	vst v2;
	v2 =	vmul.f32 $8.000000000e+00, v3  }
0x51: {  	v3 =	vld [tilespmem:s11+$0x0];
	v4 =	vmul.f32 $8.000000000e+00, v4;
	[tilespmem:s31+$0xB0] =	vst v0  }
0x52: {  	v0 =	vld [tilespmem:s11+$0x80];
	v7 =	vmul.f32 $8.000000000e+00, v7;
	[tilespmem:s31+$0x130] =	vst v2  }
0x53: {  	v2 =	vmul.f32 $8.000000000e+00, v6;
	v6 =	vld [tilespmem:s11+$0x100];
	[tilespmem:s31+$0xFFFFFE30] =	vst v4;
	s31 =	sadd.s32 $0x400, s31  }
0x54: {  	v4 =	vld [tilespmem:s11+$0xFFFFFE00];
	v5 =	vmul.f32 $8.000000000e+00, v5;
	[tilespmem:s31+$0x180] =	vst v7  }
0x55: {  	[tilespmem:s31+$0xFFFFFE80] =	vst v2;
	v1 =	vmul.f32 $8.000000000e+00, v1;
	v2 =	vld [tilespmem:s11+$0x190]  }
0x56: {  	v7 =	vld [tilespmem:s11+$0xFFFFFE90];
	[tilespmem:s31+$0xFFFFFF00] =	vst v5;
	v3 =	vmul.f32 $8.000000000e+00, v3  }
0x57: {  	v5 =	vld [tilespmem:s11+$0xFFFFFF10];
	[tilespmem:s31+$0xFFFFFF80] =	vst v1;
	v0 =	vmul.f32 $8.000000000e+00, v0  }
0x58: {  	v1 =	vld [tilespmem:s11+$0xFFFFFF90];
	[tilespmem:s31+$0x0] =	vst v3;
	v3 =	vmul.f32 $8.000000000e+00, v6  }
0x59: {  	v4 =	vmul.f32 $8.000000000e+00, v4;
	v6 =	vld [tilespmem:s11+$0x10];
	[tilespmem:s31+$0x80] =	vst v0  }
0x5a: {  	v0 =	vld [tilespmem:s11+$0x90];
	[tilespmem:s31+$0x100] =	vst v3;
	v2 =	vmul.f32 $8.000000000e+00, v2  }
0x5b: {  	[tilespmem:s31+$0xFFFFFE00] =	vst v4;
	v3 =	vmul.f32 $8.000000000e+00, v7;
	v4 =	vld [tilespmem:s11+$0x110]  }
0x5c: {  	v7 =	vld [tilespmem:s11+$0xFFFFFE10];
	v5 =	vmul.f32 $8.000000000e+00, v5;
	[tilespmem:s31+$0x190] =	vst v2  }
0x5d: {  	[tilespmem:s31+$0xFFFFFE90] =	vst v3;
	v1 =	vmul.f32 $8.000000000e+00, v1;
	v2 =	vld [tilespmem:s11+$0x1A0]  }
0x5e: {  	v3 =	vld [tilespmem:s11+$0xFFFFFEA0];
	[tilespmem:s31+$0xFFFFFF10] =	vst v5;
	v5 =	vmul.f32 $8.000000000e+00, v6  }
0x5f: {  	v6 =	vld [tilespmem:s11+$0xFFFFFF20];
	[tilespmem:s31+$0xFFFFFF90] =	vst v1;
	v0 =	vmul.f32 $8.000000000e+00, v0  }
0x60: {  	v1 =	vld [tilespmem:s11+$0xFFFFFFA0];
	[tilespmem:s31+$0x10] =	vst v5;
	v4 =	vmul.f32 $8.000000000e+00, v4  }
0x61: {  	v5 =	vmul.f32 $8.000000000e+00, v7;
	v7 =	vld [tilespmem:s11+$0x20];
	[tilespmem:s31+$0x90] =	vst v0  }
0x62: {  	v0 =	vld [tilespmem:s11+$0xA0];
	[tilespmem:s31+$0x110] =	vst v4;
	v2 =	vmul.f32 $8.000000000e+00, v2  }
0x63: {  	[tilespmem:s31+$0xFFFFFE10] =	vst v5;
	v3 =	vmul.f32 $8.000000000e+00, v3;
	v4 =	vld [tilespmem:s11+$0x120]  }
0x64: {  	v5 =	vld [tilespmem:s11+$0xFFFFFE20];
	v6 =	vmul.f32 $8.000000000e+00, v6;
	[tilespmem:s31+$0x1A0] =	vst v2  }
0x65: {  	[tilespmem:s31+$0xFFFFFEA0] =	vst v3;
	v1 =	vmul.f32 $8.000000000e+00, v1;
	v3 =	vld [tilespmem:s11+$0x1B0]  }
0x66: {  	v8 =	vld [tilespmem:s11+$0xFFFFFEB0];
	[tilespmem:s31+$0xFFFFFF20] =	vst v6;
	v2 =	vmul.f32 $8.000000000e+00, v7  }
0x67: {  	v7 =	vld [tilespmem:s11+$0xFFFFFF30];
	[tilespmem:s31+$0xFFFFFFA0] =	vst v1;
	v1 =	vmul.f32 $8.000000000e+00, v0  }
.Ltmp0:
0x68: {  	v0 =	vld [tilespmem:s11+$0xFFFFFFB0];
	[tilespmem:s31+$0x20] =	vst v2;
	v4 =	vmul.f32 $8.000000000e+00, v4;
	(pc) =	sbr.rel @p1 .LBB2_3-.Ltmp0, $4  }
0x69: {  	v5 =	vmul.f32 $8.000000000e+00, v5;
	v2 =	vld [tilespmem:s11+$0x30];
	[tilespmem:s31+$0xA0] =	vst v1  }
0x6a: {  	v1 =	vld [tilespmem:s11+$0xB0];
	[tilespmem:s31+$0x120] =	vst v4;
	v9 =	vmul.f32 $8.000000000e+00, v3  }
0x6b: {  	[tilespmem:s31+$0xFFFFFE20] =	vst v5;
	v6 =	vmul.f32 $8.000000000e+00, v8;
	v3 =	vld [tilespmem:s11+$0x130]  }
0x6c: {  	v4 =	vld [tilespmem:s11+$0xFFFFFE30];
	v5 =	vmul.f32 $8.000000000e+00, v7;
	[tilespmem:s31+$0x1B0] =	vst v9;
	s11 =	sadd.s32 $0x400, s11  }
0x6d: {  	[tilespmem:s31+$0xFFFFFEB0] =	vst v6;
	v0 =	vmul.f32 $8.000000000e+00, v0  }
0x6e: {  	[tilespmem:s31+$0xFFFFFF30] =	vst v5;
	v2 =	vmul.f32 $8.000000000e+00, v2  }
0x6f: {  	[tilespmem:s31+$0xFFFFFFB0] =	vst v0;
	v0 =	vmul.f32 $8.000000000e+00, v1  }
0x70: {  	[tilespmem:s31+$0x30] =	vst v2;
	v1 =	vmul.f32 $8.000000000e+00, v3  }
0x71: {  	p1 =	seq.s32 s19, $0x4F;
	v2 =	vmul.f32 $8.000000000e+00, v4;
	[tilespmem:s31+$0xB0] =	vst v0  }
0x72: {  	s6 =	sadd.s32 @!p1 $0x140, s20;
	[tilespmem:s31+$0x130] =	vst v1  }
0x73: {  	s11 =	simm.s32 @!p1 $0x40;
	s12 =	simm.s32 @!p1 $0x6400;
	[tilespmem:s31+$0xFFFFFE30] =	vst v2;
	s31 =	smul.u32 $0x140, s19  }
0x74: {  	[tilespmem:s12], [sflag:$0x1] =	stream.indirect.gather @!p1 [hbm4b:s4+s11], $0x80, s6, s11, $0xb8;
	[tilespmem:$0x1A400] =	vst v63  }
0x75: {  	s12 =	sadd.s32 s3, s31  }
0x76: {  	s6 =	sshll.u32 s12, $0x4  }
0x77: {  	s6 =	sadd.s32 s5, s6  }
0x78: {  	[hbm4b:s6+s2] =	stream.linear.scatter [tilespmem:s22], [sflag:$0x6], $0x2000, $0x38;
	[tilespmem:$0x1A400] =	vst v63  }
0x79: {  	_ =	swait.ge [sflag:s23], $0x2000  }
0x7a: {  	[sflag:s23] =	ssyncset.done $0x0  }
0x7b: {  	s6 =	simm.s32 @!p0 $0x7;
	[sflag:s23] =	ssyncadd.s32 $0xFFFFE000  }
0x7c: {  	_ =	swait.ge @!p0 [sflag:s6], $0x2000  }
0x7d: {  	[sflag:s6] =	ssyncset.done @!p0 $0x0  }
0x7e: {  	s12 =	simm.s32 $0x8600;
	[sflag:s6] =	ssyncadd.s32 @!p0 $0xFFFFE000  }
0x7f: {  	v0 =	vld [tilespmem:s12+$0x180]  }
0x80: {  	v1 =	vld [tilespmem:s12+$0xFFFFFE80]  }
0x81: {  	v2 =	vld [tilespmem:s12+$0xFFFFFF00]  }
0x82: {  	v3 =	vld [tilespmem:s12+$0xFFFFFF80]  }
0x83: {  	v4 =	vld [tilespmem:s12+$0x0]  }
0x84: {  	v5 =	vld [tilespmem:s12+$0x80];
	v0 =	vmul.f32 $8.000000000e+00, v0  }
0x85: {  	s6 =	simm.s32 $0x12600;
	v6 =	vld [tilespmem:s12+$0x100];
	v1 =	vmul.f32 $8.000000000e+00, v1  }
0x86: {  	v7 =	vld [tilespmem:s12+$0xFFFFFE00];
	v2 =	vmul.f32 $8.000000000e+00, v2;
	[tilespmem:s6+$0x180] =	vst v0  }
0x87: {  	[tilespmem:s6+$0xFFFFFE80] =	vst v1;
	v0 =	vmul.f32 $8.000000000e+00, v3;
	v1 =	vld [tilespmem:s12+$0x190]  }
0x88: {  	[tilespmem:s6+$0xFFFFFF00] =	vst v2;
	v2 =	vmul.f32 $8.000000000e+00, v4;
	v3 =	vld [tilespmem:s12+$0xFFFFFE90]  }
0x89: {  	v4 =	vld [tilespmem:s12+$0xFFFFFF10];
	[tilespmem:s6+$0xFFFFFF80] =	vst v0;
	v0 =	vmul.f32 $8.000000000e+00, v5  }
0x8a: {  	[tilespmem:s6+$0x0] =	vst v2;
	v2 =	vmul.f32 $8.000000000e+00, v6;
	v5 =	vld [tilespmem:s12+$0xFFFFFF90]  }
0x8b: {  	v6 =	vmul.f32 $8.000000000e+00, v7;
	v7 =	vld [tilespmem:s12+$0x10];
	[tilespmem:s6+$0x80] =	vst v0  }
0x8c: {  	[tilespmem:s6+$0x100] =	vst v2;
	v0 =	vld [tilespmem:s12+$0x90];
	v1 =	vmul.f32 $8.000000000e+00, v1  }
0x8d: {  	[tilespmem:s6+$0xFFFFFE00] =	vst v6;
	v2 =	vmul.f32 $8.000000000e+00, v3;
	v3 =	vld [tilespmem:s12+$0x110]  }
0x8e: {  	v6 =	vld [tilespmem:s12+$0xFFFFFE10];
	v4 =	vmul.f32 $8.000000000e+00, v4;
	[tilespmem:s6+$0x190] =	vst v1  }
0x8f: {  	[tilespmem:s6+$0xFFFFFE90] =	vst v2;
	v1 =	vmul.f32 $8.000000000e+00, v5;
	v2 =	vld [tilespmem:s12+$0x1A0]  }
0x90: {  	[tilespmem:s6+$0xFFFFFF10] =	vst v4;
	v4 =	vmul.f32 $8.000000000e+00, v7;
	v5 =	vld [tilespmem:s12+$0xFFFFFEA0]  }
0x91: {  	v7 =	vld [tilespmem:s12+$0xFFFFFF20];
	[tilespmem:s6+$0xFFFFFF90] =	vst v1;
	v0 =	vmul.f32 $8.000000000e+00, v0  }
0x92: {  	[tilespmem:s6+$0x10] =	vst v4;
	v1 =	vld [tilespmem:s12+$0xFFFFFFA0];
	v3 =	vmul.f32 $8.000000000e+00, v3  }
0x93: {  	v4 =	vmul.f32 $8.000000000e+00, v6;
	v6 =	vld [tilespmem:s12+$0x20];
	[tilespmem:s6+$0x90] =	vst v0  }
0x94: {  	v0 =	vld [tilespmem:s12+$0xA0];
	[tilespmem:s6+$0x110] =	vst v3;
	v2 =	vmul.f32 $8.000000000e+00, v2  }
0x95: {  	[tilespmem:s6+$0xFFFFFE10] =	vst v4;
	v3 =	vmul.f32 $8.000000000e+00, v5;
	v4 =	vld [tilespmem:s12+$0x120]  }
0x96: {  	v5 =	vld [tilespmem:s12+$0xFFFFFE20];
	v7 =	vmul.f32 $8.000000000e+00, v7;
	[tilespmem:s6+$0x1A0] =	vst v2  }
0x97: {  	[tilespmem:s6+$0xFFFFFEA0] =	vst v3;
	v1 =	vmul.f32 $8.000000000e+00, v1;
	v3 =	vld [tilespmem:s12+$0x1B0]  }
0x98: {  	[tilespmem:s6+$0xFFFFFF20] =	vst v7;
	v2 =	vmul.f32 $8.000000000e+00, v6;
	v8 =	vld [tilespmem:s12+$0xFFFFFEB0]  }
0x99: {  	v7 =	vld [tilespmem:s12+$0xFFFFFF30];
	[tilespmem:s6+$0xFFFFFFA0] =	vst v1;
	v1 =	vmul.f32 $8.000000000e+00, v0  }
0x9a: {  	[tilespmem:s6+$0x20] =	vst v2;
	v0 =	vld [tilespmem:s12+$0xFFFFFFB0];
	v4 =	vmul.f32 $8.000000000e+00, v4  }
0x9b: {  	v5 =	vmul.f32 $8.000000000e+00, v5;
	v2 =	vld [tilespmem:s12+$0x30];
	[tilespmem:s6+$0xA0] =	vst v1  }
0x9c: {  	v1 =	vld [tilespmem:s12+$0xB0];
	[tilespmem:s6+$0x120] =	vst v4;
	v9 =	vmul.f32 $8.000000000e+00, v3  }
0x9d: {  	[tilespmem:s6+$0xFFFFFE20] =	vst v5;
	v3 =	vld [tilespmem:s12+$0x130];
	v6 =	vmul.f32 $8.000000000e+00, v8  }
0x9e: {  	s11 =	simm.s32 $0x0;
	v4 =	vld [tilespmem:s12+$0xFFFFFE30];
	v5 =	vmul.f32 $8.000000000e+00, v7;
	s12 =	simm.s32 $0x8A00;
	[tilespmem:s6+$0x1B0] =	vst v9  }
.LBB2_5:
0x9f: {  	v7 =	vld [tilespmem:s12+$0x180];
	s11 =	sadd.s32 $0x8, s11;
	[tilespmem:s6+$0xFFFFFEB0] =	vst v6;
	v0 =	vmul.f32 $8.000000000e+00, v0  }
0xa0: {  	v6 =	vld [tilespmem:s12+$0xFFFFFE80];
	p2 =	slt.u32 s11, $0x38;
	[tilespmem:s6+$0xFFFFFF30] =	vst v5;
	v2 =	vmul.f32 $8.000000000e+00, v2  }
0xa1: {  	v5 =	vld [tilespmem:s12+$0xFFFFFF00];
	[tilespmem:s6+$0xFFFFFFB0] =	vst v0;
	v0 =	vmul.f32 $8.000000000e+00, v1  }
0xa2: {  	v1 =	vld [tilespmem:s12+$0xFFFFFF80];
	[tilespmem:s6+$0x30] =	vst v2;
	v2 =	vmul.f32 $8.000000000e+00, v3  }
0xa3: {  	v3 =	vld [tilespmem:s12+$0x0];
	v4 =	vmul.f32 $8.000000000e+00, v4;
	[tilespmem:s6+$0xB0] =	vst v0  }
0xa4: {  	v0 =	vld [tilespmem:s12+$0x80];
	v7 =	vmul.f32 $8.000000000e+00, v7;
	[tilespmem:s6+$0x130] =	vst v2  }
0xa5: {  	v2 =	vmul.f32 $8.000000000e+00, v6;
	v6 =	vld [tilespmem:s12+$0x100];
	[tilespmem:s6+$0xFFFFFE30] =	vst v4;
	s6 =	sadd.s32 $0x400, s6  }
0xa6: {  	v4 =	vld [tilespmem:s12+$0xFFFFFE00];
	v5 =	vmul.f32 $8.000000000e+00, v5;
	[tilespmem:s6+$0x180] =	vst v7  }
0xa7: {  	[tilespmem:s6+$0xFFFFFE80] =	vst v2;
	v1 =	vmul.f32 $8.000000000e+00, v1;
	v2 =	vld [tilespmem:s12+$0x190]  }
0xa8: {  	v7 =	vld [tilespmem:s12+$0xFFFFFE90];
	[tilespmem:s6+$0xFFFFFF00] =	vst v5;
	v3 =	vmul.f32 $8.000000000e+00, v3  }
0xa9: {  	v5 =	vld [tilespmem:s12+$0xFFFFFF10];
	[tilespmem:s6+$0xFFFFFF80] =	vst v1;
	v0 =	vmul.f32 $8.000000000e+00, v0  }
0xaa: {  	v1 =	vld [tilespmem:s12+$0xFFFFFF90];
	[tilespmem:s6+$0x0] =	vst v3;
	v3 =	vmul.f32 $8.000000000e+00, v6  }
0xab: {  	v4 =	vmul.f32 $8.000000000e+00, v4;
	v6 =	vld [tilespmem:s12+$0x10];
	[tilespmem:s6+$0x80] =	vst v0  }
0xac: {  	v0 =	vld [tilespmem:s12+$0x90];
	[tilespmem:s6+$0x100] =	vst v3;
	v2 =	vmul.f32 $8.000000000e+00, v2  }
0xad: {  	[tilespmem:s6+$0xFFFFFE00] =	vst v4;
	v3 =	vmul.f32 $8.000000000e+00, v7;
	v4 =	vld [tilespmem:s12+$0x110]  }
0xae: {  	v7 =	vld [tilespmem:s12+$0xFFFFFE10];
	v5 =	vmul.f32 $8.000000000e+00, v5;
	[tilespmem:s6+$0x190] =	vst v2  }
0xaf: {  	[tilespmem:s6+$0xFFFFFE90] =	vst v3;
	v1 =	vmul.f32 $8.000000000e+00, v1;
	v2 =	vld [tilespmem:s12+$0x1A0]  }
0xb0: {  	v3 =	vld [tilespmem:s12+$0xFFFFFEA0];
	[tilespmem:s6+$0xFFFFFF10] =	vst v5;
	v5 =	vmul.f32 $8.000000000e+00, v6  }
0xb1: {  	v6 =	vld [tilespmem:s12+$0xFFFFFF20];
	[tilespmem:s6+$0xFFFFFF90] =	vst v1;
	v0 =	vmul.f32 $8.000000000e+00, v0  }
0xb2: {  	v1 =	vld [tilespmem:s12+$0xFFFFFFA0];
	[tilespmem:s6+$0x10] =	vst v5;
	v4 =	vmul.f32 $8.000000000e+00, v4  }
0xb3: {  	v5 =	vmul.f32 $8.000000000e+00, v7;
	v7 =	vld [tilespmem:s12+$0x20];
	[tilespmem:s6+$0x90] =	vst v0  }
0xb4: {  	v0 =	vld [tilespmem:s12+$0xA0];
	[tilespmem:s6+$0x110] =	vst v4;
	v2 =	vmul.f32 $8.000000000e+00, v2  }
0xb5: {  	[tilespmem:s6+$0xFFFFFE10] =	vst v5;
	v3 =	vmul.f32 $8.000000000e+00, v3;
	v4 =	vld [tilespmem:s12+$0x120]  }
0xb6: {  	v5 =	vld [tilespmem:s12+$0xFFFFFE20];
	v6 =	vmul.f32 $8.000000000e+00, v6;
	[tilespmem:s6+$0x1A0] =	vst v2  }
0xb7: {  	[tilespmem:s6+$0xFFFFFEA0] =	vst v3;
	v1 =	vmul.f32 $8.000000000e+00, v1;
	v3 =	vld [tilespmem:s12+$0x1B0]  }
0xb8: {  	v8 =	vld [tilespmem:s12+$0xFFFFFEB0];
	[tilespmem:s6+$0xFFFFFF20] =	vst v6;
	v2 =	vmul.f32 $8.000000000e+00, v7  }
0xb9: {  	v7 =	vld [tilespmem:s12+$0xFFFFFF30];
	[tilespmem:s6+$0xFFFFFFA0] =	vst v1;
	v1 =	vmul.f32 $8.000000000e+00, v0  }
.Ltmp1:
0xba: {  	v0 =	vld [tilespmem:s12+$0xFFFFFFB0];
	[tilespmem:s6+$0x20] =	vst v2;
	v4 =	vmul.f32 $8.000000000e+00, v4;
	(pc) =	sbr.rel @p2 .LBB2_5-.Ltmp1, $4  }
0xbb: {  	v5 =	vmul.f32 $8.000000000e+00, v5;
	v2 =	vld [tilespmem:s12+$0x30];
	[tilespmem:s6+$0xA0] =	vst v1  }
0xbc: {  	v1 =	vld [tilespmem:s12+$0xB0];
	[tilespmem:s6+$0x120] =	vst v4;
	v9 =	vmul.f32 $8.000000000e+00, v3  }
0xbd: {  	[tilespmem:s6+$0xFFFFFE20] =	vst v5;
	v6 =	vmul.f32 $8.000000000e+00, v8;
	v3 =	vld [tilespmem:s12+$0x130]  }
0xbe: {  	v4 =	vld [tilespmem:s12+$0xFFFFFE30];
	v5 =	vmul.f32 $8.000000000e+00, v7;
	[tilespmem:s6+$0x1B0] =	vst v9;
	s12 =	sadd.s32 $0x400, s12  }
0xbf: {  	[tilespmem:s6+$0xFFFFFEB0] =	vst v6;
	v0 =	vmul.f32 $8.000000000e+00, v0  }
0xc0: {  	[tilespmem:s6+$0xFFFFFF30] =	vst v5;
	v2 =	vmul.f32 $8.000000000e+00, v2  }
0xc1: {  	[tilespmem:s6+$0xFFFFFFB0] =	vst v0;
	v0 =	vmul.f32 $8.000000000e+00, v1  }
0xc2: {  	[tilespmem:s6+$0x30] =	vst v2;
	v1 =	vmul.f32 $8.000000000e+00, v3  }
0xc3: {  	v2 =	vmul.f32 $8.000000000e+00, v4;
	[tilespmem:s6+$0xB0] =	vst v0  }
0xc4: {  	[tilespmem:s6+$0x130] =	vst v1  }
0xc5: {  	s11 =	simm.s32 @!p1 $0x40;
	s12 =	simm.s32 @!p1 $0x8400;
	[tilespmem:s6+$0xFFFFFE30] =	vst v2;
	s6 =	sadd.s32 @!p1 $0x180, s20  }
0xc6: {  	[tilespmem:s12], [sflag:$0x2] =	stream.indirect.gather @!p1 [hbm4b:s4+s11], $0x80, s6, s11, $0xb8;
	[tilespmem:$0x1A400] =	vst v63  }
0xc7: {  	s12 =	sadd.s32 s31, s8  }
0xc8: {  	s6 =	sshll.u32 s12, $0x4  }
0xc9: {  	s6 =	sadd.s32 s5, s6  }
0xca: {  	[hbm4b:s6+s2] =	stream.linear.scatter [tilespmem:s24], [sflag:$0x7], $0x2000, $0x38;
	[tilespmem:$0x1A400] =	vst v63  }
0xcb: {  	_ =	swait.ge [sflag:s25], $0x2000  }
0xcc: {  	[sflag:s25] =	ssyncset.done $0x0  }
0xcd: {  	s6 =	simm.s32 @!p0 $0x8;
	[sflag:s25] =	ssyncadd.s32 $0xFFFFE000  }
0xce: {  	_ =	swait.ge @!p0 [sflag:s6], $0x2000  }
0xcf: {  	[sflag:s6] =	ssyncset.done @!p0 $0x0  }
0xd0: {  	s12 =	simm.s32 $0xA600;
	[sflag:s6] =	ssyncadd.s32 @!p0 $0xFFFFE000  }
0xd1: {  	v0 =	vld [tilespmem:s12+$0x180]  }
0xd2: {  	v1 =	vld [tilespmem:s12+$0xFFFFFE80]  }
0xd3: {  	v2 =	vld [tilespmem:s12+$0xFFFFFF00]  }
0xd4: {  	v3 =	vld [tilespmem:s12+$0xFFFFFF80]  }
0xd5: {  	v4 =	vld [tilespmem:s12+$0x0]  }
0xd6: {  	v5 =	vld [tilespmem:s12+$0x80];
	v0 =	vmul.f32 $8.000000000e+00, v0  }
0xd7: {  	s6 =	simm.s32 $0x14600;
	v6 =	vld [tilespmem:s12+$0x100];
	v1 =	vmul.f32 $8.000000000e+00, v1  }
0xd8: {  	v7 =	vld [tilespmem:s12+$0xFFFFFE00];
	v2 =	vmul.f32 $8.000000000e+00, v2;
	[tilespmem:s6+$0x180] =	vst v0  }
0xd9: {  	[tilespmem:s6+$0xFFFFFE80] =	vst v1;
	v0 =	vmul.f32 $8.000000000e+00, v3;
	v1 =	vld [tilespmem:s12+$0x190]  }
0xda: {  	[tilespmem:s6+$0xFFFFFF00] =	vst v2;
	v2 =	vmul.f32 $8.000000000e+00, v4;
	v3 =	vld [tilespmem:s12+$0xFFFFFE90]  }
0xdb: {  	v4 =	vld [tilespmem:s12+$0xFFFFFF10];
	[tilespmem:s6+$0xFFFFFF80] =	vst v0;
	v0 =	vmul.f32 $8.000000000e+00, v5  }
0xdc: {  	[tilespmem:s6+$0x0] =	vst v2;
	v2 =	vmul.f32 $8.000000000e+00, v6;
	v5 =	vld [tilespmem:s12+$0xFFFFFF90]  }
0xdd: {  	v6 =	vmul.f32 $8.000000000e+00, v7;
	v7 =	vld [tilespmem:s12+$0x10];
	[tilespmem:s6+$0x80] =	vst v0  }
0xde: {  	[tilespmem:s6+$0x100] =	vst v2;
	v0 =	vld [tilespmem:s12+$0x90];
	v1 =	vmul.f32 $8.000000000e+00, v1  }
0xdf: {  	[tilespmem:s6+$0xFFFFFE00] =	vst v6;
	v2 =	vmul.f32 $8.000000000e+00, v3;
	v3 =	vld [tilespmem:s12+$0x110]  }
0xe0: {  	v6 =	vld [tilespmem:s12+$0xFFFFFE10];
	v4 =	vmul.f32 $8.000000000e+00, v4;
	[tilespmem:s6+$0x190] =	vst v1  }
0xe1: {  	[tilespmem:s6+$0xFFFFFE90] =	vst v2;
	v1 =	vmul.f32 $8.000000000e+00, v5;
	v2 =	vld [tilespmem:s12+$0x1A0]  }
0xe2: {  	[tilespmem:s6+$0xFFFFFF10] =	vst v4;
	v4 =	vmul.f32 $8.000000000e+00, v7;
	v5 =	vld [tilespmem:s12+$0xFFFFFEA0]  }
0xe3: {  	v7 =	vld [tilespmem:s12+$0xFFFFFF20];
	[tilespmem:s6+$0xFFFFFF90] =	vst v1;
	v0 =	vmul.f32 $8.000000000e+00, v0  }
0xe4: {  	[tilespmem:s6+$0x10] =	vst v4;
	v1 =	vld [tilespmem:s12+$0xFFFFFFA0];
	v3 =	vmul.f32 $8.000000000e+00, v3  }
0xe5: {  	v4 =	vmul.f32 $8.000000000e+00, v6;
	v6 =	vld [tilespmem:s12+$0x20];
	[tilespmem:s6+$0x90] =	vst v0  }
0xe6: {  	v0 =	vld [tilespmem:s12+$0xA0];
	[tilespmem:s6+$0x110] =	vst v3;
	v2 =	vmul.f32 $8.000000000e+00, v2  }
0xe7: {  	[tilespmem:s6+$0xFFFFFE10] =	vst v4;
	v3 =	vmul.f32 $8.000000000e+00, v5;
	v4 =	vld [tilespmem:s12+$0x120]  }
0xe8: {  	v5 =	vld [tilespmem:s12+$0xFFFFFE20];
	v7 =	vmul.f32 $8.000000000e+00, v7;
	[tilespmem:s6+$0x1A0] =	vst v2  }
0xe9: {  	[tilespmem:s6+$0xFFFFFEA0] =	vst v3;
	v1 =	vmul.f32 $8.000000000e+00, v1;
	v3 =	vld [tilespmem:s12+$0x1B0]  }
0xea: {  	[tilespmem:s6+$0xFFFFFF20] =	vst v7;
	v2 =	vmul.f32 $8.000000000e+00, v6;
	v8 =	vld [tilespmem:s12+$0xFFFFFEB0]  }
0xeb: {  	v7 =	vld [tilespmem:s12+$0xFFFFFF30];
	[tilespmem:s6+$0xFFFFFFA0] =	vst v1;
	v1 =	vmul.f32 $8.000000000e+00, v0  }
0xec: {  	[tilespmem:s6+$0x20] =	vst v2;
	v0 =	vld [tilespmem:s12+$0xFFFFFFB0];
	v4 =	vmul.f32 $8.000000000e+00, v4  }
0xed: {  	v5 =	vmul.f32 $8.000000000e+00, v5;
	v2 =	vld [tilespmem:s12+$0x30];
	[tilespmem:s6+$0xA0] =	vst v1  }
0xee: {  	v1 =	vld [tilespmem:s12+$0xB0];
	[tilespmem:s6+$0x120] =	vst v4;
	v9 =	vmul.f32 $8.000000000e+00, v3  }
0xef: {  	[tilespmem:s6+$0xFFFFFE20] =	vst v5;
	v3 =	vld [tilespmem:s12+$0x130];
	v6 =	vmul.f32 $8.000000000e+00, v8  }
0xf0: {  	s11 =	simm.s32 $0x0;
	v4 =	vld [tilespmem:s12+$0xFFFFFE30];
	v5 =	vmul.f32 $8.000000000e+00, v7;
	s12 =	simm.s32 $0xAA00;
	[tilespmem:s6+$0x1B0] =	vst v9  }
.LBB2_7:
0xf1: {  	v7 =	vld [tilespmem:s12+$0x180];
	s11 =	sadd.s32 $0x8, s11;
	[tilespmem:s6+$0xFFFFFEB0] =	vst v6;
	v0 =	vmul.f32 $8.000000000e+00, v0  }
0xf2: {  	v6 =	vld [tilespmem:s12+$0xFFFFFE80];
	p2 =	slt.u32 s11, $0x38;
	[tilespmem:s6+$0xFFFFFF30] =	vst v5;
	v2 =	vmul.f32 $8.000000000e+00, v2  }
0xf3: {  	v5 =	vld [tilespmem:s12+$0xFFFFFF00];
	[tilespmem:s6+$0xFFFFFFB0] =	vst v0;
	v0 =	vmul.f32 $8.000000000e+00, v1  }
0xf4: {  	v1 =	vld [tilespmem:s12+$0xFFFFFF80];
	[tilespmem:s6+$0x30] =	vst v2;
	v2 =	vmul.f32 $8.000000000e+00, v3  }
0xf5: {  	v3 =	vld [tilespmem:s12+$0x0];
	v4 =	vmul.f32 $8.000000000e+00, v4;
	[tilespmem:s6+$0xB0] =	vst v0  }
0xf6: {  	v0 =	vld [tilespmem:s12+$0x80];
	v7 =	vmul.f32 $8.000000000e+00, v7;
	[tilespmem:s6+$0x130] =	vst v2  }
0xf7: {  	v2 =	vmul.f32 $8.000000000e+00, v6;
	v6 =	vld [tilespmem:s12+$0x100];
	[tilespmem:s6+$0xFFFFFE30] =	vst v4;
	s6 =	sadd.s32 $0x400, s6  }
0xf8: {  	v4 =	vld [tilespmem:s12+$0xFFFFFE00];
	v5 =	vmul.f32 $8.000000000e+00, v5;
	[tilespmem:s6+$0x180] =	vst v7  }
0xf9: {  	[tilespmem:s6+$0xFFFFFE80] =	vst v2;
	v1 =	vmul.f32 $8.000000000e+00, v1;
	v2 =	vld [tilespmem:s12+$0x190]  }
0xfa: {  	v7 =	vld [tilespmem:s12+$0xFFFFFE90];
	[tilespmem:s6+$0xFFFFFF00] =	vst v5;
	v3 =	vmul.f32 $8.000000000e+00, v3  }
0xfb: {  	v5 =	vld [tilespmem:s12+$0xFFFFFF10];
	[tilespmem:s6+$0xFFFFFF80] =	vst v1;
	v0 =	vmul.f32 $8.000000000e+00, v0  }
0xfc: {  	v1 =	vld [tilespmem:s12+$0xFFFFFF90];
	[tilespmem:s6+$0x0] =	vst v3;
	v3 =	vmul.f32 $8.000000000e+00, v6  }
0xfd: {  	v4 =	vmul.f32 $8.000000000e+00, v4;
	v6 =	vld [tilespmem:s12+$0x10];
	[tilespmem:s6+$0x80] =	vst v0  }
0xfe: {  	v0 =	vld [tilespmem:s12+$0x90];
	[tilespmem:s6+$0x100] =	vst v3;
	v2 =	vmul.f32 $8.000000000e+00, v2  }
0xff: {  	[tilespmem:s6+$0xFFFFFE00] =	vst v4;
	v3 =	vmul.f32 $8.000000000e+00, v7;
	v4 =	vld [tilespmem:s12+$0x110]  }
0x100: {  	v7 =	vld [tilespmem:s12+$0xFFFFFE10];
	v5 =	vmul.f32 $8.000000000e+00, v5;
	[tilespmem:s6+$0x190] =	vst v2  }
0x101: {  	[tilespmem:s6+$0xFFFFFE90] =	vst v3;
	v1 =	vmul.f32 $8.000000000e+00, v1;
	v2 =	vld [tilespmem:s12+$0x1A0]  }
0x102: {  	v3 =	vld [tilespmem:s12+$0xFFFFFEA0];
	[tilespmem:s6+$0xFFFFFF10] =	vst v5;
	v5 =	vmul.f32 $8.000000000e+00, v6  }
0x103: {  	v6 =	vld [tilespmem:s12+$0xFFFFFF20];
	[tilespmem:s6+$0xFFFFFF90] =	vst v1;
	v0 =	vmul.f32 $8.000000000e+00, v0  }
0x104: {  	v1 =	vld [tilespmem:s12+$0xFFFFFFA0];
	[tilespmem:s6+$0x10] =	vst v5;
	v4 =	vmul.f32 $8.000000000e+00, v4  }
0x105: {  	v5 =	vmul.f32 $8.000000000e+00, v7;
	v7 =	vld [tilespmem:s12+$0x20];
	[tilespmem:s6+$0x90] =	vst v0  }
0x106: {  	v0 =	vld [tilespmem:s12+$0xA0];
	[tilespmem:s6+$0x110] =	vst v4;
	v2 =	vmul.f32 $8.000000000e+00, v2  }
0x107: {  	[tilespmem:s6+$0xFFFFFE10] =	vst v5;
	v3 =	vmul.f32 $8.000000000e+00, v3;
	v4 =	vld [tilespmem:s12+$0x120]  }
0x108: {  	v5 =	vld [tilespmem:s12+$0xFFFFFE20];
	v6 =	vmul.f32 $8.000000000e+00, v6;
	[tilespmem:s6+$0x1A0] =	vst v2  }
0x109: {  	[tilespmem:s6+$0xFFFFFEA0] =	vst v3;
	v1 =	vmul.f32 $8.000000000e+00, v1;
	v3 =	vld [tilespmem:s12+$0x1B0]  }
0x10a: {  	v8 =	vld [tilespmem:s12+$0xFFFFFEB0];
	[tilespmem:s6+$0xFFFFFF20] =	vst v6;
	v2 =	vmul.f32 $8.000000000e+00, v7  }
0x10b: {  	v7 =	vld [tilespmem:s12+$0xFFFFFF30];
	[tilespmem:s6+$0xFFFFFFA0] =	vst v1;
	v1 =	vmul.f32 $8.000000000e+00, v0  }
.Ltmp2:
0x10c: {  	v0 =	vld [tilespmem:s12+$0xFFFFFFB0];
	[tilespmem:s6+$0x20] =	vst v2;
	v4 =	vmul.f32 $8.000000000e+00, v4;
	(pc) =	sbr.rel @p2 .LBB2_7-.Ltmp2, $4  }
0x10d: {  	v5 =	vmul.f32 $8.000000000e+00, v5;
	v2 =	vld [tilespmem:s12+$0x30];
	[tilespmem:s6+$0xA0] =	vst v1  }
0x10e: {  	v1 =	vld [tilespmem:s12+$0xB0];
	[tilespmem:s6+$0x120] =	vst v4;
	v9 =	vmul.f32 $8.000000000e+00, v3  }
0x10f: {  	[tilespmem:s6+$0xFFFFFE20] =	vst v5;
	v6 =	vmul.f32 $8.000000000e+00, v8;
	v3 =	vld [tilespmem:s12+$0x130]  }
0x110: {  	v4 =	vld [tilespmem:s12+$0xFFFFFE30];
	v5 =	vmul.f32 $8.000000000e+00, v7;
	[tilespmem:s6+$0x1B0] =	vst v9;
	s12 =	sadd.s32 $0x400, s12  }
0x111: {  	[tilespmem:s6+$0xFFFFFEB0] =	vst v6;
	v0 =	vmul.f32 $8.000000000e+00, v0  }
0x112: {  	[tilespmem:s6+$0xFFFFFF30] =	vst v5;
	v2 =	vmul.f32 $8.000000000e+00, v2  }
0x113: {  	[tilespmem:s6+$0xFFFFFFB0] =	vst v0;
	v0 =	vmul.f32 $8.000000000e+00, v1  }
0x114: {  	[tilespmem:s6+$0x30] =	vst v2;
	v1 =	vmul.f32 $8.000000000e+00, v3  }
0x115: {  	v2 =	vmul.f32 $8.000000000e+00, v4;
	[tilespmem:s6+$0xB0] =	vst v0  }
0x116: {  	[tilespmem:s6+$0x130] =	vst v1  }
0x117: {  	s11 =	simm.s32 @!p1 $0x40;
	s12 =	simm.s32 @!p1 $0xA400;
	[tilespmem:s6+$0xFFFFFE30] =	vst v2;
	s6 =	sadd.s32 @!p1 $0x1C0, s20  }
0x118: {  	[tilespmem:s12], [sflag:$0x3] =	stream.indirect.gather @!p1 [hbm4b:s4+s11], $0x80, s6, s11, $0xb8;
	[tilespmem:$0x1A400] =	vst v63  }
0x119: {  	s12 =	sadd.s32 s31, s9  }
0x11a: {  	s6 =	sshll.u32 s12, $0x4  }
0x11b: {  	s6 =	sadd.s32 s5, s6  }
0x11c: {  	[hbm4b:s6+s2] =	stream.linear.scatter [tilespmem:s26], [sflag:$0x8], $0x2000, $0x38;
	[tilespmem:$0x1A400] =	vst v63  }
0x11d: {  	_ =	swait.ge [sflag:s28], $0x2000  }
0x11e: {  	[sflag:s28] =	ssyncset.done $0x0  }
0x11f: {  	s6 =	simm.s32 @!p0 $0x9;
	[sflag:s28] =	ssyncadd.s32 $0xFFFFE000  }
0x120: {  	_ =	swait.ge @!p0 [sflag:s6], $0x2000  }
0x121: {  	[sflag:s6] =	ssyncset.done @!p0 $0x0  }
0x122: {  	s12 =	simm.s32 $0xC600;
	[sflag:s6] =	ssyncadd.s32 @!p0 $0xFFFFE000  }
0x123: {  	v0 =	vld [tilespmem:s12+$0x180]  }
0x124: {  	v1 =	vld [tilespmem:s12+$0xFFFFFE80]  }
0x125: {  	v2 =	vld [tilespmem:s12+$0xFFFFFF00]  }
0x126: {  	v3 =	vld [tilespmem:s12+$0xFFFFFF80]  }
0x127: {  	v4 =	vld [tilespmem:s12+$0x0]  }
0x128: {  	v5 =	vld [tilespmem:s12+$0x80];
	v0 =	vmul.f32 $8.000000000e+00, v0  }
0x129: {  	s6 =	simm.s32 $0x16600;
	v6 =	vld [tilespmem:s12+$0x100];
	v1 =	vmul.f32 $8.000000000e+00, v1  }
0x12a: {  	v7 =	vld [tilespmem:s12+$0xFFFFFE00];
	v2 =	vmul.f32 $8.000000000e+00, v2;
	[tilespmem:s6+$0x180] =	vst v0  }
0x12b: {  	[tilespmem:s6+$0xFFFFFE80] =	vst v1;
	v0 =	vmul.f32 $8.000000000e+00, v3;
	v1 =	vld [tilespmem:s12+$0x190]  }
0x12c: {  	[tilespmem:s6+$0xFFFFFF00] =	vst v2;
	v2 =	vmul.f32 $8.000000000e+00, v4;
	v3 =	vld [tilespmem:s12+$0xFFFFFE90]  }
0x12d: {  	v4 =	vld [tilespmem:s12+$0xFFFFFF10];
	[tilespmem:s6+$0xFFFFFF80] =	vst v0;
	v0 =	vmul.f32 $8.000000000e+00, v5  }
0x12e: {  	[tilespmem:s6+$0x0] =	vst v2;
	v2 =	vmul.f32 $8.000000000e+00, v6;
	v5 =	vld [tilespmem:s12+$0xFFFFFF90]  }
0x12f: {  	v6 =	vmul.f32 $8.000000000e+00, v7;
	v7 =	vld [tilespmem:s12+$0x10];
	[tilespmem:s6+$0x80] =	vst v0  }
0x130: {  	[tilespmem:s6+$0x100] =	vst v2;
	v0 =	vld [tilespmem:s12+$0x90];
	v1 =	vmul.f32 $8.000000000e+00, v1  }
0x131: {  	[tilespmem:s6+$0xFFFFFE00] =	vst v6;
	v2 =	vmul.f32 $8.000000000e+00, v3;
	v3 =	vld [tilespmem:s12+$0x110]  }
0x132: {  	v6 =	vld [tilespmem:s12+$0xFFFFFE10];
	v4 =	vmul.f32 $8.000000000e+00, v4;
	[tilespmem:s6+$0x190] =	vst v1  }
0x133: {  	[tilespmem:s6+$0xFFFFFE90] =	vst v2;
	v1 =	vmul.f32 $8.000000000e+00, v5;
	v2 =	vld [tilespmem:s12+$0x1A0]  }
0x134: {  	[tilespmem:s6+$0xFFFFFF10] =	vst v4;
	v4 =	vmul.f32 $8.000000000e+00, v7;
	v5 =	vld [tilespmem:s12+$0xFFFFFEA0]  }
0x135: {  	v7 =	vld [tilespmem:s12+$0xFFFFFF20];
	[tilespmem:s6+$0xFFFFFF90] =	vst v1;
	v0 =	vmul.f32 $8.000000000e+00, v0  }
0x136: {  	[tilespmem:s6+$0x10] =	vst v4;
	v1 =	vld [tilespmem:s12+$0xFFFFFFA0];
	v3 =	vmul.f32 $8.000000000e+00, v3  }
0x137: {  	v4 =	vmul.f32 $8.000000000e+00, v6;
	v6 =	vld [tilespmem:s12+$0x20];
	[tilespmem:s6+$0x90] =	vst v0  }
0x138: {  	v0 =	vld [tilespmem:s12+$0xA0];
	[tilespmem:s6+$0x110] =	vst v3;
	v2 =	vmul.f32 $8.000000000e+00, v2  }
0x139: {  	[tilespmem:s6+$0xFFFFFE10] =	vst v4;
	v3 =	vmul.f32 $8.000000000e+00, v5;
	v4 =	vld [tilespmem:s12+$0x120]  }
0x13a: {  	v5 =	vld [tilespmem:s12+$0xFFFFFE20];
	v7 =	vmul.f32 $8.000000000e+00, v7;
	[tilespmem:s6+$0x1A0] =	vst v2  }
0x13b: {  	[tilespmem:s6+$0xFFFFFEA0] =	vst v3;
	v1 =	vmul.f32 $8.000000000e+00, v1;
	v3 =	vld [tilespmem:s12+$0x1B0]  }
0x13c: {  	[tilespmem:s6+$0xFFFFFF20] =	vst v7;
	v2 =	vmul.f32 $8.000000000e+00, v6;
	v8 =	vld [tilespmem:s12+$0xFFFFFEB0]  }
0x13d: {  	v7 =	vld [tilespmem:s12+$0xFFFFFF30];
	[tilespmem:s6+$0xFFFFFFA0] =	vst v1;
	v1 =	vmul.f32 $8.000000000e+00, v0  }
0x13e: {  	[tilespmem:s6+$0x20] =	vst v2;
	v0 =	vld [tilespmem:s12+$0xFFFFFFB0];
	v4 =	vmul.f32 $8.000000000e+00, v4  }
0x13f: {  	v5 =	vmul.f32 $8.000000000e+00, v5;
	v2 =	vld [tilespmem:s12+$0x30];
	[tilespmem:s6+$0xA0] =	vst v1  }
0x140: {  	v1 =	vld [tilespmem:s12+$0xB0];
	[tilespmem:s6+$0x120] =	vst v4;
	v9 =	vmul.f32 $8.000000000e+00, v3  }
0x141: {  	[tilespmem:s6+$0xFFFFFE20] =	vst v5;
	v3 =	vld [tilespmem:s12+$0x130];
	v6 =	vmul.f32 $8.000000000e+00, v8  }
0x142: {  	s11 =	simm.s32 $0x0;
	v4 =	vld [tilespmem:s12+$0xFFFFFE30];
	v5 =	vmul.f32 $8.000000000e+00, v7;
	s12 =	simm.s32 $0xCA00;
	[tilespmem:s6+$0x1B0] =	vst v9  }
.LBB2_9:
0x143: {  	v7 =	vld [tilespmem:s12+$0x180];
	s11 =	sadd.s32 $0x8, s11;
	[tilespmem:s6+$0xFFFFFEB0] =	vst v6;
	v0 =	vmul.f32 $8.000000000e+00, v0  }
0x144: {  	v6 =	vld [tilespmem:s12+$0xFFFFFE80];
	p2 =	slt.u32 s11, $0x38;
	[tilespmem:s6+$0xFFFFFF30] =	vst v5;
	v2 =	vmul.f32 $8.000000000e+00, v2  }
0x145: {  	v5 =	vld [tilespmem:s12+$0xFFFFFF00];
	[tilespmem:s6+$0xFFFFFFB0] =	vst v0;
	v0 =	vmul.f32 $8.000000000e+00, v1  }
0x146: {  	v1 =	vld [tilespmem:s12+$0xFFFFFF80];
	[tilespmem:s6+$0x30] =	vst v2;
	v2 =	vmul.f32 $8.000000000e+00, v3  }
0x147: {  	v3 =	vld [tilespmem:s12+$0x0];
	v4 =	vmul.f32 $8.000000000e+00, v4;
	[tilespmem:s6+$0xB0] =	vst v0  }
0x148: {  	v0 =	vld [tilespmem:s12+$0x80];
	v7 =	vmul.f32 $8.000000000e+00, v7;
	[tilespmem:s6+$0x130] =	vst v2  }
0x149: {  	v2 =	vmul.f32 $8.000000000e+00, v6;
	v6 =	vld [tilespmem:s12+$0x100];
	[tilespmem:s6+$0xFFFFFE30] =	vst v4;
	s6 =	sadd.s32 $0x400, s6  }
0x14a: {  	v4 =	vld [tilespmem:s12+$0xFFFFFE00];
	v5 =	vmul.f32 $8.000000000e+00, v5;
	[tilespmem:s6+$0x180] =	vst v7  }
0x14b: {  	[tilespmem:s6+$0xFFFFFE80] =	vst v2;
	v1 =	vmul.f32 $8.000000000e+00, v1;
	v2 =	vld [tilespmem:s12+$0x190]  }
0x14c: {  	v7 =	vld [tilespmem:s12+$0xFFFFFE90];
	[tilespmem:s6+$0xFFFFFF00] =	vst v5;
	v3 =	vmul.f32 $8.000000000e+00, v3  }
0x14d: {  	v5 =	vld [tilespmem:s12+$0xFFFFFF10];
	[tilespmem:s6+$0xFFFFFF80] =	vst v1;
	v0 =	vmul.f32 $8.000000000e+00, v0  }
0x14e: {  	v1 =	vld [tilespmem:s12+$0xFFFFFF90];
	[tilespmem:s6+$0x0] =	vst v3;
	v3 =	vmul.f32 $8.000000000e+00, v6  }
0x14f: {  	v4 =	vmul.f32 $8.000000000e+00, v4;
	v6 =	vld [tilespmem:s12+$0x10];
	[tilespmem:s6+$0x80] =	vst v0  }
0x150: {  	v0 =	vld [tilespmem:s12+$0x90];
	[tilespmem:s6+$0x100] =	vst v3;
	v2 =	vmul.f32 $8.000000000e+00, v2  }
0x151: {  	[tilespmem:s6+$0xFFFFFE00] =	vst v4;
	v3 =	vmul.f32 $8.000000000e+00, v7;
	v4 =	vld [tilespmem:s12+$0x110]  }
0x152: {  	v7 =	vld [tilespmem:s12+$0xFFFFFE10];
	v5 =	vmul.f32 $8.000000000e+00, v5;
	[tilespmem:s6+$0x190] =	vst v2  }
0x153: {  	[tilespmem:s6+$0xFFFFFE90] =	vst v3;
	v1 =	vmul.f32 $8.000000000e+00, v1;
	v2 =	vld [tilespmem:s12+$0x1A0]  }
0x154: {  	v3 =	vld [tilespmem:s12+$0xFFFFFEA0];
	[tilespmem:s6+$0xFFFFFF10] =	vst v5;
	v5 =	vmul.f32 $8.000000000e+00, v6  }
0x155: {  	v6 =	vld [tilespmem:s12+$0xFFFFFF20];
	[tilespmem:s6+$0xFFFFFF90] =	vst v1;
	v0 =	vmul.f32 $8.000000000e+00, v0  }
0x156: {  	v1 =	vld [tilespmem:s12+$0xFFFFFFA0];
	[tilespmem:s6+$0x10] =	vst v5;
	v4 =	vmul.f32 $8.000000000e+00, v4  }
0x157: {  	v5 =	vmul.f32 $8.000000000e+00, v7;
	v7 =	vld [tilespmem:s12+$0x20];
	[tilespmem:s6+$0x90] =	vst v0  }
0x158: {  	v0 =	vld [tilespmem:s12+$0xA0];
	[tilespmem:s6+$0x110] =	vst v4;
	v2 =	vmul.f32 $8.000000000e+00, v2  }
0x159: {  	[tilespmem:s6+$0xFFFFFE10] =	vst v5;
	v3 =	vmul.f32 $8.000000000e+00, v3;
	v4 =	vld [tilespmem:s12+$0x120]  }
0x15a: {  	v5 =	vld [tilespmem:s12+$0xFFFFFE20];
	v6 =	vmul.f32 $8.000000000e+00, v6;
	[tilespmem:s6+$0x1A0] =	vst v2  }
0x15b: {  	[tilespmem:s6+$0xFFFFFEA0] =	vst v3;
	v1 =	vmul.f32 $8.000000000e+00, v1;
	v3 =	vld [tilespmem:s12+$0x1B0]  }
0x15c: {  	v8 =	vld [tilespmem:s12+$0xFFFFFEB0];
	[tilespmem:s6+$0xFFFFFF20] =	vst v6;
	v2 =	vmul.f32 $8.000000000e+00, v7  }
0x15d: {  	v7 =	vld [tilespmem:s12+$0xFFFFFF30];
	[tilespmem:s6+$0xFFFFFFA0] =	vst v1;
	v1 =	vmul.f32 $8.000000000e+00, v0  }
.Ltmp3:
0x15e: {  	v0 =	vld [tilespmem:s12+$0xFFFFFFB0];
	[tilespmem:s6+$0x20] =	vst v2;
	v4 =	vmul.f32 $8.000000000e+00, v4;
	(pc) =	sbr.rel @p2 .LBB2_9-.Ltmp3, $4  }
0x15f: {  	v5 =	vmul.f32 $8.000000000e+00, v5;
	v2 =	vld [tilespmem:s12+$0x30];
	[tilespmem:s6+$0xA0] =	vst v1  }
0x160: {  	v1 =	vld [tilespmem:s12+$0xB0];
	[tilespmem:s6+$0x120] =	vst v4;
	v9 =	vmul.f32 $8.000000000e+00, v3  }
0x161: {  	[tilespmem:s6+$0xFFFFFE20] =	vst v5;
	v6 =	vmul.f32 $8.000000000e+00, v8;
	v3 =	vld [tilespmem:s12+$0x130]  }
0x162: {  	v4 =	vld [tilespmem:s12+$0xFFFFFE30];
	v5 =	vmul.f32 $8.000000000e+00, v7;
	[tilespmem:s6+$0x1B0] =	vst v9;
	s12 =	sadd.s32 $0x400, s12  }
0x163: {  	[tilespmem:s6+$0xFFFFFEB0] =	vst v6;
	v0 =	vmul.f32 $8.000000000e+00, v0  }
0x164: {  	[tilespmem:s6+$0xFFFFFF30] =	vst v5;
	v2 =	vmul.f32 $8.000000000e+00, v2  }
0x165: {  	[tilespmem:s6+$0xFFFFFFB0] =	vst v0;
	v0 =	vmul.f32 $8.000000000e+00, v1  }
0x166: {  	[tilespmem:s6+$0x30] =	vst v2;
	v1 =	vmul.f32 $8.000000000e+00, v3  }
0x167: {  	v2 =	vmul.f32 $8.000000000e+00, v4;
	[tilespmem:s6+$0xB0] =	vst v0  }
0x168: {  	s11 =	simm.s32 @!p1 $0x40;
	[tilespmem:s6+$0x130] =	vst v1  }
0x169: {  	s12 =	simm.s32 @!p1 $0xC400;
	[tilespmem:s6+$0xFFFFFE30] =	vst v2;
	s6 =	sadd.s32 @!p1 $0x200, s20;
	s20 =	sadd.s32 s31, s10  }
0x16a: {  	[tilespmem:s12], [sflag:$0x4] =	stream.indirect.gather @!p1 [hbm4b:s4+s11], $0x80, s6, s11, $0xb8;
	[tilespmem:$0x1A400] =	vst v63  }
0x16b: {  	s6 =	sshll.u32 s20, $0x4  }
0x16c: {  	s6 =	sadd.s32 s5, s6  }
0x16d: {  	[hbm4b:s6+s2] =	stream.linear.scatter [tilespmem:s29], [sflag:$0x9], $0x2000, $0x38;
	[tilespmem:$0x1A400] =	vst v63  }
0x16e: {  	_ =	swait.ge [sflag:s30], $0x2000  }
0x16f: {  	[sflag:s30] =	ssyncset.done $0x0  }
0x170: {  	s6 =	simm.s32 @!p0 $0xA;
	[sflag:s30] =	ssyncadd.s32 $0xFFFFE000  }
0x171: {  	_ =	swait.ge @!p0 [sflag:s6], $0x2000  }
0x172: {  	[sflag:s6] =	ssyncset.done @!p0 $0x0  }
0x173: {  	s31 =	simm.s32 $0xE600;
	[sflag:s6] =	ssyncadd.s32 @!p0 $0xFFFFE000  }
0x174: {  	v0 =	vld [tilespmem:s31+$0x180]  }
0x175: {  	v1 =	vld [tilespmem:s31+$0xFFFFFE80]  }
0x176: {  	v2 =	vld [tilespmem:s31+$0xFFFFFF00]  }
0x177: {  	v3 =	vld [tilespmem:s31+$0xFFFFFF80]  }
0x178: {  	v4 =	vld [tilespmem:s31+$0x0]  }
0x179: {  	v5 =	vld [tilespmem:s31+$0x80];
	v0 =	vmul.f32 $8.000000000e+00, v0  }
0x17a: {  	s20 =	simm.s32 $0x18600;
	v6 =	vld [tilespmem:s31+$0x100];
	v1 =	vmul.f32 $8.000000000e+00, v1  }
0x17b: {  	v7 =	vld [tilespmem:s31+$0xFFFFFE00];
	v2 =	vmul.f32 $8.000000000e+00, v2;
	[tilespmem:s20+$0x180] =	vst v0  }
0x17c: {  	[tilespmem:s20+$0xFFFFFE80] =	vst v1;
	v0 =	vmul.f32 $8.000000000e+00, v3;
	v1 =	vld [tilespmem:s31+$0x190]  }
0x17d: {  	[tilespmem:s20+$0xFFFFFF00] =	vst v2;
	v2 =	vmul.f32 $8.000000000e+00, v4;
	v3 =	vld [tilespmem:s31+$0xFFFFFE90]  }
0x17e: {  	v4 =	vld [tilespmem:s31+$0xFFFFFF10];
	[tilespmem:s20+$0xFFFFFF80] =	vst v0;
	v0 =	vmul.f32 $8.000000000e+00, v5  }
0x17f: {  	[tilespmem:s20+$0x0] =	vst v2;
	v2 =	vmul.f32 $8.000000000e+00, v6;
	v5 =	vld [tilespmem:s31+$0xFFFFFF90]  }
0x180: {  	v6 =	vmul.f32 $8.000000000e+00, v7;
	v7 =	vld [tilespmem:s31+$0x10];
	[tilespmem:s20+$0x80] =	vst v0  }
0x181: {  	[tilespmem:s20+$0x100] =	vst v2;
	v0 =	vld [tilespmem:s31+$0x90];
	v1 =	vmul.f32 $8.000000000e+00, v1  }
0x182: {  	[tilespmem:s20+$0xFFFFFE00] =	vst v6;
	v2 =	vmul.f32 $8.000000000e+00, v3;
	v3 =	vld [tilespmem:s31+$0x110]  }
0x183: {  	v6 =	vld [tilespmem:s31+$0xFFFFFE10];
	v4 =	vmul.f32 $8.000000000e+00, v4;
	[tilespmem:s20+$0x190] =	vst v1  }
0x184: {  	[tilespmem:s20+$0xFFFFFE90] =	vst v2;
	v1 =	vmul.f32 $8.000000000e+00, v5;
	v2 =	vld [tilespmem:s31+$0x1A0]  }
0x185: {  	[tilespmem:s20+$0xFFFFFF10] =	vst v4;
	v4 =	vmul.f32 $8.000000000e+00, v7;
	v5 =	vld [tilespmem:s31+$0xFFFFFEA0]  }
0x186: {  	v7 =	vld [tilespmem:s31+$0xFFFFFF20];
	[tilespmem:s20+$0xFFFFFF90] =	vst v1;
	v0 =	vmul.f32 $8.000000000e+00, v0  }
0x187: {  	[tilespmem:s20+$0x10] =	vst v4;
	v1 =	vld [tilespmem:s31+$0xFFFFFFA0];
	v3 =	vmul.f32 $8.000000000e+00, v3  }
0x188: {  	v4 =	vmul.f32 $8.000000000e+00, v6;
	v6 =	vld [tilespmem:s31+$0x20];
	[tilespmem:s20+$0x90] =	vst v0  }
0x189: {  	v0 =	vld [tilespmem:s31+$0xA0];
	[tilespmem:s20+$0x110] =	vst v3;
	v2 =	vmul.f32 $8.000000000e+00, v2  }
0x18a: {  	[tilespmem:s20+$0xFFFFFE10] =	vst v4;
	v3 =	vmul.f32 $8.000000000e+00, v5;
	v4 =	vld [tilespmem:s31+$0x120]  }
0x18b: {  	v5 =	vld [tilespmem:s31+$0xFFFFFE20];
	v7 =	vmul.f32 $8.000000000e+00, v7;
	[tilespmem:s20+$0x1A0] =	vst v2  }
0x18c: {  	[tilespmem:s20+$0xFFFFFEA0] =	vst v3;
	v1 =	vmul.f32 $8.000000000e+00, v1;
	v3 =	vld [tilespmem:s31+$0x1B0]  }
0x18d: {  	[tilespmem:s20+$0xFFFFFF20] =	vst v7;
	v2 =	vmul.f32 $8.000000000e+00, v6;
	v8 =	vld [tilespmem:s31+$0xFFFFFEB0]  }
0x18e: {  	v7 =	vld [tilespmem:s31+$0xFFFFFF30];
	[tilespmem:s20+$0xFFFFFFA0] =	vst v1;
	v1 =	vmul.f32 $8.000000000e+00, v0  }
0x18f: {  	[tilespmem:s20+$0x20] =	vst v2;
	v0 =	vld [tilespmem:s31+$0xFFFFFFB0];
	v4 =	vmul.f32 $8.000000000e+00, v4  }
0x190: {  	v5 =	vmul.f32 $8.000000000e+00, v5;
	v2 =	vld [tilespmem:s31+$0x30];
	[tilespmem:s20+$0xA0] =	vst v1  }
0x191: {  	v1 =	vld [tilespmem:s31+$0xB0];
	[tilespmem:s20+$0x120] =	vst v4;
	v9 =	vmul.f32 $8.000000000e+00, v3  }
0x192: {  	[tilespmem:s20+$0xFFFFFE20] =	vst v5;
	v3 =	vld [tilespmem:s31+$0x130];
	v6 =	vmul.f32 $8.000000000e+00, v8  }
0x193: {  	s11 =	simm.s32 $0xEA00;
	s6 =	simm.s32 $0x0;
	v4 =	vld [tilespmem:s31+$0xFFFFFE30];
	v5 =	vmul.f32 $8.000000000e+00, v7;
	[tilespmem:s20+$0x1B0] =	vst v9  }
.LBB2_11:
0x194: {  	v7 =	vld [tilespmem:s11+$0x180];
	s6 =	sadd.s32 $0x8, s6;
	[tilespmem:s20+$0xFFFFFEB0] =	vst v6;
	v0 =	vmul.f32 $8.000000000e+00, v0  }
0x195: {  	v6 =	vld [tilespmem:s11+$0xFFFFFE80];
	p0 =	slt.u32 s6, $0x38;
	[tilespmem:s20+$0xFFFFFF30] =	vst v5;
	v2 =	vmul.f32 $8.000000000e+00, v2  }
0x196: {  	v5 =	vld [tilespmem:s11+$0xFFFFFF00];
	[tilespmem:s20+$0xFFFFFFB0] =	vst v0;
	v0 =	vmul.f32 $8.000000000e+00, v1  }
0x197: {  	v1 =	vld [tilespmem:s11+$0xFFFFFF80];
	[tilespmem:s20+$0x30] =	vst v2;
	v2 =	vmul.f32 $8.000000000e+00, v3  }
0x198: {  	v3 =	vld [tilespmem:s11+$0x0];
	v4 =	vmul.f32 $8.000000000e+00, v4;
	[tilespmem:s20+$0xB0] =	vst v0  }
0x199: {  	v0 =	vld [tilespmem:s11+$0x80];
	v7 =	vmul.f32 $8.000000000e+00, v7;
	[tilespmem:s20+$0x130] =	vst v2  }
0x19a: {  	v2 =	vmul.f32 $8.000000000e+00, v6;
	v6 =	vld [tilespmem:s11+$0x100];
	[tilespmem:s20+$0xFFFFFE30] =	vst v4;
	s20 =	sadd.s32 $0x400, s20  }
0x19b: {  	v4 =	vld [tilespmem:s11+$0xFFFFFE00];
	v5 =	vmul.f32 $8.000000000e+00, v5;
	[tilespmem:s20+$0x180] =	vst v7  }
0x19c: {  	[tilespmem:s20+$0xFFFFFE80] =	vst v2;
	v1 =	vmul.f32 $8.000000000e+00, v1;
	v2 =	vld [tilespmem:s11+$0x190]  }
0x19d: {  	v7 =	vld [tilespmem:s11+$0xFFFFFE90];
	[tilespmem:s20+$0xFFFFFF00] =	vst v5;
	v3 =	vmul.f32 $8.000000000e+00, v3  }
0x19e: {  	v5 =	vld [tilespmem:s11+$0xFFFFFF10];
	[tilespmem:s20+$0xFFFFFF80] =	vst v1;
	v0 =	vmul.f32 $8.000000000e+00, v0  }
0x19f: {  	v1 =	vld [tilespmem:s11+$0xFFFFFF90];
	[tilespmem:s20+$0x0] =	vst v3;
	v3 =	vmul.f32 $8.000000000e+00, v6  }
0x1a0: {  	v4 =	vmul.f32 $8.000000000e+00, v4;
	v6 =	vld [tilespmem:s11+$0x10];
	[tilespmem:s20+$0x80] =	vst v0  }
0x1a1: {  	v0 =	vld [tilespmem:s11+$0x90];
	[tilespmem:s20+$0x100] =	vst v3;
	v2 =	vmul.f32 $8.000000000e+00, v2  }
0x1a2: {  	[tilespmem:s20+$0xFFFFFE00] =	vst v4;
	v3 =	vmul.f32 $8.000000000e+00, v7;
	v4 =	vld [tilespmem:s11+$0x110]  }
0x1a3: {  	v7 =	vld [tilespmem:s11+$0xFFFFFE10];
	v5 =	vmul.f32 $8.000000000e+00, v5;
	[tilespmem:s20+$0x190] =	vst v2  }
0x1a4: {  	[tilespmem:s20+$0xFFFFFE90] =	vst v3;
	v1 =	vmul.f32 $8.000000000e+00, v1;
	v2 =	vld [tilespmem:s11+$0x1A0]  }
0x1a5: {  	v3 =	vld [tilespmem:s11+$0xFFFFFEA0];
	[tilespmem:s20+$0xFFFFFF10] =	vst v5;
	v5 =	vmul.f32 $8.000000000e+00, v6  }
0x1a6: {  	v6 =	vld [tilespmem:s11+$0xFFFFFF20];
	[tilespmem:s20+$0xFFFFFF90] =	vst v1;
	v0 =	vmul.f32 $8.000000000e+00, v0  }
0x1a7: {  	v1 =	vld [tilespmem:s11+$0xFFFFFFA0];
	[tilespmem:s20+$0x10] =	vst v5;
	v4 =	vmul.f32 $8.000000000e+00, v4  }
0x1a8: {  	v5 =	vmul.f32 $8.000000000e+00, v7;
	v7 =	vld [tilespmem:s11+$0x20];
	[tilespmem:s20+$0x90] =	vst v0  }
0x1a9: {  	v0 =	vld [tilespmem:s11+$0xA0];
	[tilespmem:s20+$0x110] =	vst v4;
	v2 =	vmul.f32 $8.000000000e+00, v2  }
0x1aa: {  	[tilespmem:s20+$0xFFFFFE10] =	vst v5;
	v3 =	vmul.f32 $8.000000000e+00, v3;
	v4 =	vld [tilespmem:s11+$0x120]  }
0x1ab: {  	v5 =	vld [tilespmem:s11+$0xFFFFFE20];
	v6 =	vmul.f32 $8.000000000e+00, v6;
	[tilespmem:s20+$0x1A0] =	vst v2  }
0x1ac: {  	[tilespmem:s20+$0xFFFFFEA0] =	vst v3;
	v1 =	vmul.f32 $8.000000000e+00, v1;
	v3 =	vld [tilespmem:s11+$0x1B0]  }
0x1ad: {  	v8 =	vld [tilespmem:s11+$0xFFFFFEB0];
	[tilespmem:s20+$0xFFFFFF20] =	vst v6;
	v2 =	vmul.f32 $8.000000000e+00, v7  }
0x1ae: {  	v7 =	vld [tilespmem:s11+$0xFFFFFF30];
	[tilespmem:s20+$0xFFFFFFA0] =	vst v1;
	v1 =	vmul.f32 $8.000000000e+00, v0  }
.Ltmp4:
0x1af: {  	v0 =	vld [tilespmem:s11+$0xFFFFFFB0];
	[tilespmem:s20+$0x20] =	vst v2;
	v4 =	vmul.f32 $8.000000000e+00, v4;
	(pc) =	sbr.rel @p0 .LBB2_11-.Ltmp4, $4  }
0x1b0: {  	v5 =	vmul.f32 $8.000000000e+00, v5;
	v2 =	vld [tilespmem:s11+$0x30];
	[tilespmem:s20+$0xA0] =	vst v1  }
0x1b1: {  	v1 =	vld [tilespmem:s11+$0xB0];
	[tilespmem:s20+$0x120] =	vst v4;
	v9 =	vmul.f32 $8.000000000e+00, v3  }
0x1b2: {  	[tilespmem:s20+$0xFFFFFE20] =	vst v5;
	v6 =	vmul.f32 $8.000000000e+00, v8;
	v3 =	vld [tilespmem:s11+$0x130]  }
0x1b3: {  	v4 =	vld [tilespmem:s11+$0xFFFFFE30];
	v5 =	vmul.f32 $8.000000000e+00, v7;
	[tilespmem:s20+$0x1B0] =	vst v9;
	s11 =	sadd.s32 $0x400, s11  }
0x1b4: {  	[tilespmem:s20+$0xFFFFFEB0] =	vst v6;
	v0 =	vmul.f32 $8.000000000e+00, v0;
	s19 =	sadd.s32 $0x1, s19  }
0x1b5: {  	[tilespmem:s20+$0xFFFFFF30] =	vst v5;
	v2 =	vmul.f32 $8.000000000e+00, v2;
	p0 =	sne.s32 s19, $0x50  }
.Ltmp5:
0x1b6: {  	[tilespmem:s20+$0xFFFFFFB0] =	vst v0;
	v61 =	vmul.f32 $8.000000000e+00, v1;
	(pc) =	sbr.rel @p0 .LBB2_2-.Ltmp5, $4  }
0x1b7: {  	[tilespmem:s20+$0x30] =	vst v2;
	v62 =	vmul.f32 $8.000000000e+00, v3  }
0x1b8: {  	v63 =	vmul.f32 $8.000000000e+00, v4;
	[tilespmem:s20+$0xB0] =	vst v61  }
0x1b9: {  	[tilespmem:s20+$0x130] =	vst v62  }
0x1ba: {  	[tilespmem:s20+$0xFFFFFE30] =	vst v63  }
0x1bb: {  	s6 =	rddreg [dreg:$0x4];
	s11 =	simm.s32 $0x18400  }
0x1bc: {  	[hbm4b:s6+s2] =	stream.linear.scatter [tilespmem:s11], [sflag:$0xA], $0x2000, $0x38;
	[tilespmem:$0x1A400] =	vst v63  }
0x1bd: {  	_ =	swait.ge [sflag:s0], $0x2000  }
0x1be: {  	[sflag:s0] =	ssyncset.done $0x0  }
0x1bf: {  	[sflag:s0] =	ssyncadd.s32 $0xFFFFE000  }
0x1c0: {  	_ =	swait.ge [sflag:s1], $0x2000  }
0x1c1: {  	[sflag:s1] =	ssyncset.done $0x0  }
0x1c2: {  	[sflag:s1] =	ssyncadd.s32 $0xFFFFE000  }
0x1c3: {  	_ =	swait.ge [sflag:s15], $0x2000  }
0x1c4: {  	[sflag:s15] =	ssyncset.done $0x0  }
0x1c5: {  	[sflag:s15] =	ssyncadd.s32 $0xFFFFE000  }
0x1c6: {  	_ =	swait.ge [sflag:s16], $0x2000  }
0x1c7: {  	[sflag:s16] =	ssyncset.done $0x0  }
0x1c8: {  	[sflag:s16] =	ssyncadd.s32 $0xFFFFE000  }
0x1c9: {  	_ =	swait.ge [sflag:s17], $0x2000  }
0x1ca: {  	s18 =	sadd.s32 $0x1, s18;
	s31 =	rddreg [dreg:$0x5]  }
0x1cb: {  	p0 =	sne.s32 s18, s31  }
.Ltmp6:
0x1cc: {  	_ = 	snop;
	(pc) =	sbr.rel @p0 .LBB2_1-.Ltmp6, $3  }
0x1cd: {  	_ =	sdelay $0x1  }
0x1ce: {  	[sflag:s17] =	ssyncset.done $0x0  }
0x1cf: {  	[sflag:s17] =	ssyncadd.s32 $0xFFFFE000  }
0x1d0: {  	_ =	sfence.sel $0x180000  }
0x1d1: {  	[bflag:$0x0] =	sbarrier.arrive $0xFFFF  }
0x1d2: {  	_ =	strace $0x90000047  }
0x1d3: {  	s0 =	stileid.u32;
	[bflag:$0x2] =	sbarrier.arrive $0xFFFF  }
0x1d4: {  	p0 =	sne.s32 s0, $0x0;
	s0 =	rddreg [dreg:$0x2]  }
0x1d5: {  	s0 =	sadd.s32 @!p0 $0x100000, s0  }
0x1d6: {  	[sflag:s0] =	ssyncadd.tile.s32 @!p0 $0x1;
	_ =	shalt  }
.Lfunc_end2:
_tile_overlayer_lowered:
.L_overlay_start_2:
0x1d7: {  	(tag) =	ssettag $0x2  }
0x1d8: {  	s0 =	rddreg [dreg:$0x0];
	s2 =	stileid.u32  }
0x1d9: {  	s1 =	rddreg [dreg:$0x1];
	p0 =	sne.s32 s2, $0x0  }
0x1da: {  	s3 =	rddreg [dreg:$0x2];
	[bflag:$0x3] =	sbarrier.arrive $0xFFFF;
	s2 =	simm.s32 @!p0 $0x1C0B  }
0x1db: {  	[timem:s3], [sflag:s2] =	dma.local @!p0 [hbm:s0], s1  }
0x1dc: {  	s0 =	simm.s32 @!p0 $0xB  }
0x1dd: {  	_ =	swait.ge @!p0 [sflag:s0], s1  }
0x1de: {  	s1 =	ssub.s32 @!p0 $0x0, s1;
	[sflag:s0] =	ssyncset.done @!p0 $0x0  }
0x1df: {  	[sflag:s0] =	ssyncadd.s32 @!p0 s1  }
0x1e0: {  	[bflag:$0x3] =	sbarrier.arrive $0xFFFF  }
0x1e1: {  	_ =	shalt  }

// kernel: sparse-core-data-format-call.cloned.1.call-start
scs
called_computation_lowered:
.L_overlay_start_0:
0x0: {  	s2 =	sld [smem:$0x3FD9]  }
0x1: {  	s3 =	sld [smem:$0x3FFE];
	_ =	sdelay $0x1  }
0x2: {  	s1 =	srdreg.scid  }
0x3: {  	s0 =	sand.u32 $0x1, s1  }
0x4: {  	s18 =	sshll.u32 s0, $0xA;
	s2 =	sadd.s32 s3, s2  }
0x5: {  	s2 =	sadd.s32 s2, s18  }
0x6: {  	[smem:$0x3FC6] =	sst s2  }
0x7: {  	_ = 	snop  }
0x8: {  	s2 =	sld [smem:$0x3FD0];
	(tm) =	ssettm $0x1  }
0x9: {  	s19 =	sld [smem:$0x3FFB];
	_ =	sdelay $0x3  }
0xa: {  	_ =	strace s19  }
0xb: {  	s3 =	sld [smem:$0x3FFC];
	_ =	sdelay $0x3  }
0xc: {  	_ =	strace s3  }
0xd: {  	s3 =	sld [smem:$0x3FFD];
	_ =	sdelay $0x3  }
0xe: {  	_ =	strace s3  }
0xf: {  	_ =	strace $0x8FFFFFFF  }
0x10: {  	s20 =	sld [smem:$0x3FDB];
	_ =	sdelay $0x1  }
0x11: {  	s4 =	simm.s32 $_scs_section_size  }
0x12: {  	s5 =	simm.s32 $_size__tile_overlayer_lowered;
	s6 =	simm.s32 $_tile_overlayer_lowered  }
0x13: {  	s23 =	simm.s32 $0x1BFF;
	s22 =	sshll.u32 s6, $0x1;
	s3 =	sadd.s32 s4, s20  }
0x14: {  	s7 =	simm.s32 $0x0;
	s21 =	sshll.u32 s5, $0x1;
	s5 =	sadd.s32 s22, s3  }
0x15: {  	[timem:s7], [sflag:s23] =	dma.local [hbm:s5], s21  }
0x16: {  	_ =	swait.ge [sflag:s23], s21  }
0x17: {  	s4 =	ssub.s32 $0x0, s21;
	[sflag:s23] =	ssyncset.done $0x0  }
0x18: {  	[sflag:s23] =	ssyncadd.s32 s4;
	_ =	sdelay $0x1  }
0x19: {  	s24 =	simm.s32 $0x1B8B  }
0x1a: {  	_ =	swait.ge [sflag:s24], $0x1  }
0x1b: {  	[sflag:s24] =	ssyncset.done $0x0  }
0x1c: {  	s26 =	simm.s32 $0x1B8E;
	s25 =	sld [smem:$0x3FFE];
	[sflag:s24] =	ssyncadd.s32 $0xFFFFFFFF  }
0x1d: {  	s27 =	simm.s32 $execute0_lowered;
	[smem:$0x3FD2] =	sst s26  }
0x1e: {  	s5 =	sshll.u32 s27, $0x1;
	_ =	strace $0x80000049;
	[dreg:$0x1] =	wrdreg $0xFFFFFFFF  }
0x1f: {  	s28 =	simm.s32 $_size_execute0_lowered;
	s3 =	sadd.s32 s3, s5;
	[dreg:$0x0] =	wrdreg $0x0  }
0x20: {  	s5 =	sshll.u32 s28, $0x1;
	[dreg:$0x2] =	wrdreg s3  }
0x21: {  	[dreg:$0x3] =	wrdreg s5  }
0x22: {  	[dreg:$0x4] =	wrdreg $0xC0  }
0x23: {  	_ =	task [dreg:s7], $0x5FFFF  }
0x24: {  	[dreg:$0x1] =	wrdreg $0xFFFFFFFF  }
0x25: {  	[dreg:$0x0] =	wrdreg $0x60  }
0x26: {  	[dreg:$0x2] =	wrdreg s25  }
0x27: {  	[dreg:$0x3] =	wrdreg s2  }
0x28: {  	[dreg:$0x4] =	wrdreg $0x9  }
0x29: {  	_ =	task.clear_ibuf [dreg:s7], $0x5FFFF;
	_ =	strace $0x90000049  }
0x2a: {  	s29 =	simm.s32 $0x9;
	_ =	strace $0x8000004B  }
0x2b: {  	_ =	swait.ge [sflag:s29], $0x1  }
0x2c: {  	[sflag:s29] =	ssyncadd.s32 $0xFFFFFFFF  }
0x2d: {  	_ =	strace $0x9000004B  }
0x2e: {  	_ =	sfence  }
0x2f: {  	s30 =	sld [smem:$0x0];
	_ =	sdelay $0x2  }
0x30: {  	s31 =	sshll.u32 s1, $0xD;
	s1 =	sshrl.u32 s1, $0x2  }
0x31: {  	s3 =	sand.u32 $0x4000, s31;
	s1 =	sadd.s32 s1, s30  }
0x32: {  	s0 =	sor.u32 s3, s0;
	s1 =	sshll.u32 s1, $0x11  }
0x33: {  	s0 =	sor.u32 s1, s0  }
0x34: {  	s0 =	sadd.s32 $0x8F2B, s0  }
0x35: {  	[sflag:s0] =	ssyncadd.remote.s32 $0x1  }
0x36: {  	_ =	sfence.sel $0xFFFF  }
0x37: {  	[dreg:$0x0] =	wrdreg $0xFFFFFFFF;
	(pc) =	sbr.abs _section_cstart, $3  }
0x38: {  	[dreg:$0x1] =	wrdreg $0xFFFFFFFF  }
0x39: {  	_ =	task.clear_ibuf [dreg:s7], $0x2FFFF;
	_ =	strace $0x9FFFFFFF  }
0x3a: {  	(tm) =	ssettm $0x7FFFFFFF  }
0x3b: {  	_ =	shalt  }
tec
execute0_lowered:
.L_overlay_start_1:
0x0: {  	(tag) =	ssettag $0x1  }
0x1: {  	s0 =	srdreg.scid  }
0x2: {  	s1 =	sshll.u32 s0, $0x4  }
0x3: {  	s0 =	stileid.u32;
	s1 =	sand.u32 $0x10, s1  }
0x4: {  	s1 =	sor.u32 s0, s1  }
0x5: {  	s6 =	rddreg [dreg:$0x0];
	s4 =	simm.s32 $0x1;
	s2 =	sshll.u32 s1, $0x7  }
0x6: {  	s7 =	simm.s32 $0x2;
	s12 =	simm.s32 $0x0;
	s1 =	ssub.s32 $0x1000, s2  }
0x7: {  	s8 =	simm.s32 $0x8000;
	s13 =	simm.s32 $0x0;
	s3 =	sand.u32 $0xF80, s1  }
0x8: {  	s9 =	simm.s32 $0x0;
	s5 =	sshrl.u32 s1, $0xC;
	p0 =	sne.s32 s3, $0x0  }
.Ltmp0:
0x9: {  	s1 =	rddreg [dreg:$0x2];
	s4 =	simm.s32 @!p0 $0x0;
	(pc) =	sbr.rel .LBB1_1-.Ltmp0, $4  }
0xa: {  	s11 =	simm.s32 $0x0;
	s3 =	rddreg [dreg:$0x1];
	s5 =	sadd.s32 s4, s5  }
0xb: {  	_ =	strace $0x8000004A;
	s4 =	simm.s32 $0x1;
	s5 =	smul.u32 $0xC8, s5  }
0xc: {  	s6 =	sadd.s32 $0xF42C00, s6;
	s10 =	smov.u32 s2;
	[sflag:s4] =	ssyncpa.u1 $0x0  }
0xd: {  	p0 =	por $0x0, $0x0;
	[sflag:s7] =	ssyncpa.u1 $0x0;
	s7 =	sor.u32 $0x1, s5  }
.LBB1_4:
0xe: {  	s16 =	sshll.u32 s13, $0x3;
	s17 =	sand.u32 $0x78, s13  }
0xf: {  	s30 =	sand.u32 $0x7E00, s13;
	s12 =	sshll.u32 s12, $0xF;
	s16 =	sand.u32 $0xC00, s16  }
0x10: {  	[tilespmem:s15+$0x810 ss:$0x81] =	vst.msk $0xffff, v2;
	s31 =	sand.u32 $0x7, s13;
	s16 =	sor.u32 s17, s16;
	s17 =	sadd.s32 s3, s30  }
0x11: {  	[tilespmem:s15+$0x1020 ss:$0x81] =	vst.msk $0xffff, v0;
	s13 =	sshll.u32 s31, $0x12;
	s12 =	sadd.s32 s12, s17;
	s16 =	sshrl.u32 s16, $0x3  }
0x12: {  	[tilespmem:s15+$0x0 ss:$0x81] =	vst.msk $0xffff, v1;
	s13 =	sor.u32 $0x400, s13;
	s12 =	sadd.s32 s16, s12  }
0x13: {  	[hbm4b:s12+s13] =	stream.strided.scatter [tilespmem:s14], [sflag:$0x2], $0x2000, s8, s13, $0x20;
	[tilespmem:$0x8080] =	vst v63  }
.LBB1_5:
0x14: {  	s14 =	sadd.s32 $0x1, s9  }
0x15: {  	s12 =	sadd.s32 $0x1000, s10;
	s16 =	smov.u32 s10;
	p2 =	sgt.s32 s14, $0xC7  }
0x16: {  	s16 =	smov.u32 @p2 s12  }
0x17: {  	s14 =	simm.s32 @p2 $0x0;
	p2 =	sgt.s32 s16, $0xFFF  }
0x18: {  	s16 =	smov.u32 @p2 s2;
	p2 =	sne.s32 s11, s7  }
.Ltmp1:
0x19: {  	p1 =	slt.u32 s11, $0x2;
	(pc) =	sbr.rel @!p2 .LBB1_6-.Ltmp1, $4  }
0x1a: {  	s15 =	simm.s32 @!p1 $0x2  }
0x1b: {  	s13 =	smov.u32 s10;
	p0 =	por !p0, !p0;
	_ =	swait.ge @!p1 [sflag:s15], $0x2000  }
0x1c: {  	s12 =	smov.u32 s9;
	[sflag:s15] =	ssyncset.done @!p1 $0x0;
	s9 =	smov.u32 s14  }
0x1d: {  	s11 =	sadd.s32 $0x1, s11;
	[sflag:s15] =	ssyncadd.s32 @!p1 $0xFFFFE000;
	s10 =	smov.u32 s16  }
.LBB1_1:
0x1e: {  	p1 =	sge.u32 s11, s5  }
0x1f: {  	s14 =	sand.u32 @!p1 $0x1FFFFFF, s9  }
0x20: {  	s15 =	smulhi.u32 @!p1 $0x147AE15, s14;
	_ =	sdelay $0x1  }
0x21: {  	s15 =	smul.u32 @!p1 $0xC8, s15  }
0x22: {  	s16 =	sxor.u32 @!p1 $0xFFFFFFFF, s11;
	s17 =	smul.u32 @!p1 $0xC80, s10  }
0x23: {  	s31 =	sadd.s32 $0xFFFFFFFF, s11;
	s16 =	sshll.u32 @!p1 s16, $0xD;
	s14 =	ssub.s32 @!p1 s14, s15  }
0x24: {  	s15 =	sand.u32 @!p1 $0x2000, s16;
	s16 =	sadd.s32 @!p1 s6, s17;
	s14 =	sshll.u32 @!p1 s14, $0x4  }
0x25: {  	s17 =	simm.s32 @!p1 $0x6400;
	s14 =	sadd.s32 @!p1 s14, s16;
	s16 =	simm.s32 @!p1 $0x40  }
0x26: {  	[tilespmem:s15], [sflag:$0x1] =	stream.strided.gather @!p1 [hbm4b:s14+s16], $0x2000, s17, s16, $0x38;
	[tilespmem:$0x8080] =	vst v63  }
0x27: {  	p1 =	sge.u32 s31, s5  }
.Ltmp2:
0x28: {  	_ = 	snop;
	(pc) =	sbr.rel @p1 .LBB1_5-.Ltmp2, $1  }
0x29: {  	_ =	sdelay $0x3  }
0x2a: {  	s14 =	simm.s32 $0x1  }
0x2b: {  	_ =	swait.ge [sflag:s4], $0x2000;
	s14 =	simm.s32 @!p0 $0x0  }
0x2c: {  	[sflag:s4] =	ssyncset.done $0x0;
	s15 =	sshll.u32 s14, $0xD  }
0x2d: {  	[sflag:s4] =	ssyncadd.s32 $0xFFFFE000;
	s18 =	sor.u32 $0x20, s15  }
0x2e: {  	s14 =	smul.u32 $0x8100, s14;
	v3 =	vld [tilespmem:s18+$0x10]  }
0x2f: {  	s30 =	sand.u32 $0x1, s11;
	v2 =	vld [tilespmem:s18+$0xFFFFFFF0]  }
0x30: {  	s15 =	smul.u32 $0x8100, s30;
	s14 =	sshrl.u32 s14, $0x2;
	v0 =	vld [tilespmem:s18+$0x0]  }
0x31: {  	v1 =	vld [tilespmem:s18+$0xFFFFFFE0];
	s16 =	sor.u32 $0x4000, s14  }
0x32: {  	s31 =	sshrl.u32 s15, $0x2;
	s15 =	sadd.s32 $0x0, s16  }
0x33: {  	s17 =	simm.s32 $0x4;
	s18 =	sadd.s32 $0x40, s18;
	s14 =	sor.u32 $0x4000, s31;
	[tilespmem:s15+$0x1830 ss:$0x81] =	vst.msk $0xffff, v3  }
.LBB1_3:
0x34: {  	v3 =	vld [tilespmem:s18+$0x10];
	p1 =	sne.s32 s17, $0x1FC;
	[tilespmem:s15+$0x810 ss:$0x81] =	vst.msk $0xffff, v2;
	s19 =	smov.u32 s17;
	s17 =	sadd.s32 $0x4, s17  }
.Ltmp3:
0x35: {  	v2 =	vld [tilespmem:s18+$0xFFFFFFF0];
	[tilespmem:s15+$0x1020 ss:$0x81] =	vst.msk $0xffff, v0;
	(pc) =	sbr.rel @p1 .LBB1_3-.Ltmp3, $4  }
0x36: {  	v0 =	vld [tilespmem:s18+$0x0];
	[tilespmem:s15+$0x0 ss:$0x81] =	vst.msk $0xffff, v1  }
0x37: {  	s15 =	sshra.s32 s19, $0x2;
	v1 =	vld [tilespmem:s18+$0xFFFFFFE0]  }
0x38: {  	s15 =	sadd.s32 s15, s16  }
0x39: {  	s18 =	sadd.s32 $0x40, s18;
	[tilespmem:s15+$0x1830 ss:$0x81] =	vst.msk $0xffff, v3  }
.Ltmp4:
0x3a: {  	_ = 	snop;
	(pc) =	sbr.rel .LBB1_4-.Ltmp4, $1  }
0x3b: {  	_ =	sdelay $0x3  }
.LBB1_6:
0x3c: {  	_ =	sfence.sel $0x180000  }
0x3d: {  	s2 =	simm.s32 $0x1;
	[bflag:$0x0] =	sbarrier.arrive $0xFFFF  }
0x3e: {  	s31 =	simm.s32 $0x2;
	[sflag:s2] =	ssyncpa.u1 $0x1  }
0x3f: {  	[sflag:s31] =	ssyncpa.u1 $0x1  }
0x40: {  	p0 =	sne.s32 s0, $0x0;
	_ =	strace $0x9000004A  }
0x41: {  	s0 =	sadd.s32 @!p0 $0x100000, s1;
	[bflag:$0x2] =	sbarrier.arrive $0xFFFF  }
0x42: {  	[sflag:s0] =	ssyncadd.tile.s32 @!p0 $0x1;
	_ =	shalt  }
.Lfunc_end1:
_tile_overlayer_lowered:
.L_overlay_start_2:
0x43: {  	(tag) =	ssettag $0x2  }
0x44: {  	s0 =	rddreg [dreg:$0x0];
	s2 =	stileid.u32  }
0x45: {  	s1 =	rddreg [dreg:$0x1];
	p0 =	sne.s32 s2, $0x0  }
0x46: {  	s3 =	rddreg [dreg:$0x2];
	[bflag:$0x3] =	sbarrier.arrive $0xFFFF;
	s2 =	simm.s32 @!p0 $0x1C01  }
0x47: {  	[timem:s3], [sflag:s2] =	dma.local @!p0 [hbm:s0], s1  }
0x48: {  	s0 =	simm.s32 @!p0 $0x1  }
0x49: {  	_ =	swait.ge @!p0 [sflag:s0], s1  }
0x4a: {  	s1 =	ssub.s32 @!p0 $0x0, s1;
	[sflag:s0] =	ssyncset.done @!p0 $0x0  }
0x4b: {  	[sflag:s0] =	ssyncadd.s32 @!p0 s1  }
0x4c: {  	[bflag:$0x3] =	sbarrier.arrive $0xFFFF  }
0x4d: {  	_ =	shalt  }

</sc_bundles>
